<compile_context>
chip_gen: v7x
topology: tpu7x:2x2x1
jax: 0.10.2.dev20260603
libtpu: 0.0.44.dev20260713+nightly
codegen_flags: <defaults>
</compile_context>

<pallas_src>
import jax
import jax.numpy as jnp
from jax import lax
from jax.experimental import pallas as pl
from jax.experimental.pallas import tpu as pltpu, tpu_sc as plsc

DIM = 128
CTX = 200
WPC = 5
ROWS = CTX // WPC
NLANES = 16
NCH = DIM // NLANES


def _sc_body(nb_hbm, pt_hbm, ed_hbm, nd_hbm, ent_hbm, rel_hbm,
             score_hbm, loss_hbm,
             idx_v, rows_v, nidx_v, si_v, svec_v, sall_v, out_v, shared, sem):
    sid = lax.axis_index("s")

    def do_partial(ctx_idx_hbm, table_hbm, base_sid):
        j = sid - base_sid
        pltpu.sync_copy(ctx_idx_hbm.at[pl.ds(j * ROWS, ROWS)], idx_v)
        pltpu.async_copy(table_hbm.at[idx_v], rows_v, sem).wait()
        def rbody(i, acc):
            return tuple(acc[k] + rows_v[i, pl.ds(NLANES * k, NLANES)]
                         for k in range(NCH))
        acc = lax.fori_loop(
            0, ROWS, rbody,
            tuple(jnp.zeros((NLANES,), jnp.float32) for _ in range(NCH)))
        for k in range(NCH):
            svec_v[pl.ds(NLANES * k, NLANES)] = acc[k]
        pltpu.sync_copy(svec_v, shared.at[sid])

    @pl.when(sid < WPC)
    def _():
        do_partial(nb_hbm, ent_hbm, 0)

    @pl.when((sid >= WPC) & (sid < 2 * WPC))
    def _():
        do_partial(pt_hbm, ent_hbm, WPC)

    @pl.when((sid >= 2 * WPC) & (sid < 3 * WPC))
    def _():
        do_partial(ed_hbm, rel_hbm, 2 * WPC)

    @pl.when(sid == 15)
    def _():
        pltpu.sync_copy(nd_hbm, nidx_v)
        pltpu.async_copy(ent_hbm.at[nidx_v], si_v, sem).wait()

    plsc.subcore_barrier()

    @pl.when(sid == 15)
    def _():
        pltpu.sync_copy(shared, sall_v)
        def cbody(k, carry):
            nums, dens = carry
            sik = si_v[0, pl.ds(NLANES * k, NLANES)]
            new_nums, new_dens = [], []
            for c in range(3):
                def jbody(j, s):
                    return s + sall_v[c * WPC + j, pl.ds(NLANES * k, NLANES)]
                sck = lax.fori_loop(0, WPC, jbody,
                                    jnp.zeros((NLANES,), jnp.float32))
                new_nums.append(nums[c] + sik * sck)
                new_dens.append(dens[c] + sck * sck)
            return tuple(new_nums), tuple(new_dens)
        zeros3 = tuple(jnp.zeros((NLANES,), jnp.float32) for _ in range(3))
        nums, dens = lax.fori_loop(0, NCH, cbody, (zeros3, zeros3))
        ps = []
        for c in range(3):
            num_v = jnp.full((NLANES,), jnp.sum(nums[c]), jnp.float32)
            den_v = jnp.full((NLANES,), jnp.sum(dens[c]), jnp.float32)
            ps.append(num_v / den_v)
        score_v = ps[0] + jnp.float32(0.1) * ps[1] + jnp.float32(0.1) * ps[2]
        loss_v = jnp.float32(1.2) - score_v
        out_v[0, :] = score_v
        out_v[1, :] = loss_v
        c1 = pltpu.async_copy(out_v.at[0, pl.ds(0, 1)], score_hbm.at[0], sem)
        c2 = pltpu.async_copy(out_v.at[1, pl.ds(0, 1)], loss_hbm.at[0], sem)
        c1.wait()
        c2.wait()


@jax.jit
def _gake_sc(nb_idx, pt_idx, ed_idx, nd_idx, ent_table, rel_table):
    mesh = plsc.VectorSubcoreMesh(core_axis_name="c", subcore_axis_name="s",
                                  num_cores=1)
    return pl.kernel(
        _sc_body,
        out_type=(jax.ShapeDtypeStruct((1, 1), jnp.float32),
                  jax.ShapeDtypeStruct((1, 1), jnp.float32)),
        mesh=mesh,
        compiler_params=pltpu.CompilerParams(needs_layout_passes=False),
        scratch_types=[
            pltpu.VMEM((ROWS,), jnp.int32),
            pltpu.VMEM((ROWS, DIM), jnp.float32),
            pltpu.VMEM((1,), jnp.int32),
            pltpu.VMEM((1, DIM), jnp.float32),
            pltpu.VMEM((DIM,), jnp.float32),
            pltpu.VMEM((NLANES, DIM), jnp.float32),
            pltpu.VMEM((2, NLANES), jnp.float32),
            pltpu.VMEM_SHARED((NLANES, DIM), jnp.float32),
            pltpu.SemaphoreType.DMA,
        ],
        name="gake_sc",
    )(nb_idx, pt_idx, ed_idx, nd_idx, ent_table, rel_table)


@jax.jit
def kernel(node_id, neighbor_ids, path_ids, edge_ids, ent_table, rel_table):
    nb = neighbor_ids.astype(jnp.int32)
    pt = path_ids.astype(jnp.int32)
    ed = edge_ids.astype(jnp.int32)
    nd = node_id.astype(jnp.int32)
    score, loss = _gake_sc(nb, pt, ed, nd, ent_table, rel_table)
    return (score, loss)

# --- scband reference (transcript-rebuilt; emitter-appended) ---
"""Pipeline reference for scband-gake-33938831573153 (READ-ONLY COPY).

The authoritative reference and input builder live on the scoring server;
editing this copy changes nothing except your own understanding.
"""

import jax, jax.numpy as jnp
import numpy as np

ENTITY_NUM = 100000
RELATION_NUM = 1000
DIM = 128


def setup_inputs(seed: int = 0) -> dict:
    key = jax.random.key(seed)
    k1, k2, k3, k4, k5, k6 = jax.random.split(key, 6)
    node_id = jax.random.randint(k1, (1,), 0, ENTITY_NUM)
    neighbor_ids = jax.random.randint(k2, (200,), 0, ENTITY_NUM)
    path_ids = jax.random.randint(k3, (200,), 0, ENTITY_NUM)
    edge_ids = jax.random.randint(k4, (200,), 0, RELATION_NUM)
    ent_table = jax.random.normal(k5, (ENTITY_NUM, DIM), dtype=jnp.float32)
    rel_table = jax.random.normal(k6, (RELATION_NUM, DIM), dtype=jnp.float32)
    return {
        'node_id': node_id,
        'neighbor_ids': neighbor_ids,
        'path_ids': path_ids,
        'edge_ids': edge_ids,
        'ent_table': ent_table,
        'rel_table': rel_table,
    }


def _get_p(si_emb, ctx_emb):
    # context_pie = sum(ctx, dim=0) / ||ctx||_F   (torch.norm(x, p=2) is Frobenius)
    context_pie = jnp.sum(ctx_emb, axis=0) / jnp.sqrt(jnp.sum(ctx_emb * ctx_emb))

    def cacu_exp(emb):
        # torch.mm(emb, context_pie.unsqueeze(0).T) -> [n, 1]
        return emb @ context_pie[:, None]

    p = cacu_exp(si_emb) / jnp.sum(cacu_exp(ctx_emb))
    return p


def reference(node_id, neighbor_ids, path_ids, edge_ids, ent_table, rel_table):
    # si node is an entity -> lookup in entity table; gathers map to SparseCore
    si_emb = jnp.take(ent_table, node_id, axis=0)          # [1, dim]
    neighbor_emb = jnp.take(ent_table, neighbor_ids, axis=0)  # [200, dim] (entity context)
    path_emb = jnp.take(ent_table, path_ids, axis=0)          # [200, dim] (entity context)
    edge_emb = jnp.take(rel_table, edge_ids, axis=0)          # [200, dim] (relation context)

    neighbors_p = _get_p(si_emb, neighbor_emb)
    paths_p = _get_p(si_emb, path_emb)
    edge_p = _get_p(si_emb, edge_emb)

    score = 1.0 * neighbors_p + 0.1 * paths_p + 0.1 * edge_p
    loss = 1.2 - score
    return (score, loss)

if __name__ == "__main__":
    import jax
    _d = setup_inputs()
    print(jax.jit(kernel)(*tuple(_d.values())))

</pallas_src>

<mosaic_0001>
#map = affine_map<(d0, d1) -> (0)>
#map1 = affine_map<(d0, d1) -> (0, 0)>
module attributes {stable_mosaic.version = 14 : i64} {
  func.func @gake_sc(%arg0: i32, %arg1: i32, %arg2: memref<200xi32, #tpu.memory_space<hbm>>, %arg3: memref<200xi32, #tpu.memory_space<hbm>>, %arg4: memref<200xi32, #tpu.memory_space<hbm>>, %arg5: memref<1xi32, #tpu.memory_space<hbm>>, %arg6: memref<100000x128xf32, #tpu.memory_space<hbm>>, %arg7: memref<1000x128xf32, #tpu.memory_space<hbm>>, %arg8: memref<1x1xf32, #tpu.memory_space<hbm>>, %arg9: memref<1x1xf32, #tpu.memory_space<hbm>>, %arg10: memref<40xi32, #tpu.memory_space<vmem>>, %arg11: memref<40x128xf32, #tpu.memory_space<vmem>>, %arg12: memref<1xi32, #tpu.memory_space<vmem>>, %arg13: memref<1x128xf32, #tpu.memory_space<vmem>>, %arg14: memref<128xf32, #tpu.memory_space<vmem>>, %arg15: memref<16x128xf32, #tpu.memory_space<vmem>>, %arg16: memref<2x16xf32, #tpu.memory_space<vmem>>, %arg17: memref<16x128xf32, #tpu.memory_space<vmem_shared>>, %arg18: memref<!tpu.dma_semaphore, #tpu.memory_space<semaphore_mem>>) attributes {dimension_semantics = [#tpu.dimension_semantics<core_parallel>, #tpu.dimension_semantics<subcore_parallel>], iteration_bounds = array<i64: 1, 16>, scalar_prefetch = 0 : i64, scratch_operands = 9 : i64, tpu.core_type = #tpu.core_type<sc_vector_subcore>, window_params = [{transform_indices = #map}, {transform_indices = #map}, {transform_indices = #map}, {transform_indices = #map}, {transform_indices = #map1}, {transform_indices = #map1}, {transform_indices = #map1}, {transform_indices = #map1}]} {
    %lt3A = arith.constant 5 : i32
    %lt3A_0 = arith.cmpi slt, %arg1, %lt3A : i32
    %convert_element_type3A = arith.extui %lt3A_0 : i1 to i32
    %cond3A = arith.constant 0 : i32
    %cond3A_1 = arith.cmpi ne, %convert_element_type3A, %cond3A : i32
    scf.if %cond3A_1 {
      %sub3A = arith.constant 0 : i32
      %sub3A_25 = arith.subi %arg1, %sub3A : i32
      %mul3A = arith.constant 40 : i32
      %mul3A_26 = arith.muli %sub3A_25, %mul3A : i32
      "tpu.region"() ({
        %run_scoped3A = tpu.sem_alloc : memref<!tpu.dma_semaphore, #tpu.memory_space<semaphore_mem>>
        %dma_start3A_66 = tpu.memref_slice %arg2[%mul3A_26] : memref<200xi32, #tpu.memory_space<hbm>> -> memref<40xi32, #tpu.memory_space<hbm>>
        %dma_start3A_67 = tpu.memref_slice %arg2[%mul3A_26] : memref<200xi32, #tpu.memory_space<hbm>> -> memref<40xi32, #tpu.memory_space<hbm>>
        tpu.enqueue_dma source(%dma_start3A_67 : memref<40xi32, #tpu.memory_space<hbm>>) target(%arg10 : memref<40xi32, #tpu.memory_space<vmem>>) target_semaphore(%run_scoped3A : memref<!tpu.dma_semaphore, #tpu.memory_space<semaphore_mem>>)
        %dma_wait3A_68 = tpu.memref_slice %arg2[%mul3A_26] : memref<200xi32, #tpu.memory_space<hbm>> -> memref<40xi32, #tpu.memory_space<hbm>>
        %dma_wait3A_69 = tpu.memref_slice %arg2[%mul3A_26] : memref<200xi32, #tpu.memory_space<hbm>> -> memref<40xi32, #tpu.memory_space<hbm>>
        tpu.wait_dma2 semaphore(%run_scoped3A : memref<!tpu.dma_semaphore, #tpu.memory_space<semaphore_mem>>) src(%dma_wait3A_69 : memref<40xi32, #tpu.memory_space<hbm>>) dst(%arg10 : memref<40xi32, #tpu.memory_space<vmem>>)
        tpu.yield
      }) : () -> ()
      %dma_start3A = arith.constant 0 : i32
      %dma_start3A_27 = arith.constant 0 : i32
      %dma_start3A_28 = tpu.memref_slice %arg6[%dma_start3A, %dma_start3A_27] : memref<100000x128xf32, #tpu.memory_space<hbm>> -> memref<100000x128xf32, #tpu.memory_space<hbm>>
      tpu.enqueue_indirect_dma source(%dma_start3A_28 : memref<100000x128xf32, #tpu.memory_space<hbm>>) target(%arg11 : memref<40x128xf32, #tpu.memory_space<vmem>>) offsets(%arg10 : memref<40xi32, #tpu.memory_space<vmem>>) semaphore(%arg18 : memref<!tpu.dma_semaphore, #tpu.memory_space<semaphore_mem>>)
      %dma_wait3A = arith.constant 0 : i32
      %dma_wait3A_29 = arith.constant 0 : i32
      %dma_wait3A_30 = tpu.memref_slice %arg6[%dma_wait3A, %dma_wait3A_29] : memref<100000x128xf32, #tpu.memory_space<hbm>> -> memref<100000x128xf32, #tpu.memory_space<hbm>>
      tpu.wait_indirect_dma semaphore(%arg18 : memref<!tpu.dma_semaphore, #tpu.memory_space<semaphore_mem>>) src(%dma_wait3A_30 : memref<100000x128xf32, #tpu.memory_space<hbm>>) dst(%arg11 : memref<40x128xf32, #tpu.memory_space<vmem>>)
      %broadcast_in_dim3A = arith.constant 0.000000e+00 : f32
      %broadcast_in_dim3A_31 = vector.broadcast %broadcast_in_dim3A : f32 to vector<16xf32>
      %broadcast_in_dim3A_32 = arith.constant 0.000000e+00 : f32
      %broadcast_in_dim3A_33 = vector.broadcast %broadcast_in_dim3A_32 : f32 to vector<16xf32>
      %broadcast_in_dim3A_34 = arith.constant 0.000000e+00 : f32
      %broadcast_in_dim3A_35 = vector.broadcast %broadcast_in_dim3A_34 : f32 to vector<16xf32>
      %broadcast_in_dim3A_36 = arith.constant 0.000000e+00 : f32
      %broadcast_in_dim3A_37 = vector.broadcast %broadcast_in_dim3A_36 : f32 to vector<16xf32>
      %broadcast_in_dim3A_38 = arith.constant 0.000000e+00 : f32
      %broadcast_in_dim3A_39 = vector.broadcast %broadcast_in_dim3A_38 : f32 to vector<16xf32>
      %broadcast_in_dim3A_40 = arith.constant 0.000000e+00 : f32
      %broadcast_in_dim3A_41 = vector.broadcast %broadcast_in_dim3A_40 : f32 to vector<16xf32>
      %broadcast_in_dim3A_42 = arith.constant 0.000000e+00 : f32
      %broadcast_in_dim3A_43 = vector.broadcast %broadcast_in_dim3A_42 : f32 to vector<16xf32>
      %broadcast_in_dim3A_44 = arith.constant 0.000000e+00 : f32
      %broadcast_in_dim3A_45 = vector.broadcast %broadcast_in_dim3A_44 : f32 to vector<16xf32>
      %scan3A = arith.constant 0 : i32
      %scan3A_46 = arith.constant 40 : i32
      %scan3A_47 = arith.addi %scan3A, %scan3A_46 : i32
      %scan3A_48 = arith.constant 1 : i32
      %scan3A_49:8 = scf.for %scan3A_66 = %scan3A to %scan3A_47 step %scan3A_48 iter_args(%scan3A_67 = %broadcast_in_dim3A_31, %scan3A_68 = %broadcast_in_dim3A_33, %scan3A_69 = %broadcast_in_dim3A_35, %scan3A_70 = %broadcast_in_dim3A_37, %scan3A_71 = %broadcast_in_dim3A_39, %scan3A_72 = %broadcast_in_dim3A_41, %scan3A_73 = %broadcast_in_dim3A_43, %scan3A_74 = %broadcast_in_dim3A_45) -> (vector<16xf32>, vector<16xf32>, vector<16xf32>, vector<16xf32>, vector<16xf32>, vector<16xf32>, vector<16xf32>, vector<16xf32>)  : i32 {
        %get3A = arith.index_cast %scan3A_66 : i32 to index
        %get3A_75 = arith.constant 0 : index
        %get3A_76 = tpu.vector_load %arg11[%get3A, %get3A_75] {strides = array<i32>} : memref<40x128xf32, #tpu.memory_space<vmem>>, vector<16xf32>,
        %add3A = arith.addf %scan3A_67, %get3A_76 : vector<16xf32>
        %get3A_77 = arith.index_cast %scan3A_66 : i32 to index
        %get3A_78 = arith.constant 16 : index
        %get3A_79 = tpu.vector_load %arg11[%get3A_77, %get3A_78] {strides = array<i32>} : memref<40x128xf32, #tpu.memory_space<vmem>>, vector<16xf32>,
        %add3A_80 = arith.addf %scan3A_68, %get3A_79 : vector<16xf32>
        %get3A_81 = arith.index_cast %scan3A_66 : i32 to index
        %get3A_82 = arith.constant 32 : index
        %get3A_83 = tpu.vector_load %arg11[%get3A_81, %get3A_82] {strides = array<i32>} : memref<40x128xf32, #tpu.memory_space<vmem>>, vector<16xf32>,
        %add3A_84 = arith.addf %scan3A_69, %get3A_83 : vector<16xf32>
        %get3A_85 = arith.index_cast %scan3A_66 : i32 to index
        %get3A_86 = arith.constant 48 : index
        %get3A_87 = tpu.vector_load %arg11[%get3A_85, %get3A_86] {strides = array<i32>} : memref<40x128xf32, #tpu.memory_space<vmem>>, vector<16xf32>,
        %add3A_88 = arith.addf %scan3A_70, %get3A_87 : vector<16xf32>
        %get3A_89 = arith.index_cast %scan3A_66 : i32 to index
        %get3A_90 = arith.constant 64 : index
        %get3A_91 = tpu.vector_load %arg11[%get3A_89, %get3A_90] {strides = array<i32>} : memref<40x128xf32, #tpu.memory_space<vmem>>, vector<16xf32>,
        %add3A_92 = arith.addf %scan3A_71, %get3A_91 : vector<16xf32>
        %get3A_93 = arith.index_cast %scan3A_66 : i32 to index
        %get3A_94 = arith.constant 80 : index
        %get3A_95 = tpu.vector_load %arg11[%get3A_93, %get3A_94] {strides = array<i32>} : memref<40x128xf32, #tpu.memory_space<vmem>>, vector<16xf32>,
        %add3A_96 = arith.addf %scan3A_72, %get3A_95 : vector<16xf32>
        %get3A_97 = arith.index_cast %scan3A_66 : i32 to index
        %get3A_98 = arith.constant 96 : index
        %get3A_99 = tpu.vector_load %arg11[%get3A_97, %get3A_98] {strides = array<i32>} : memref<40x128xf32, #tpu.memory_space<vmem>>, vector<16xf32>,
        %add3A_100 = arith.addf %scan3A_73, %get3A_99 : vector<16xf32>
        %get3A_101 = arith.index_cast %scan3A_66 : i32 to index
        %get3A_102 = arith.constant 112 : index
        %get3A_103 = tpu.vector_load %arg11[%get3A_101, %get3A_102] {strides = array<i32>} : memref<40x128xf32, #tpu.memory_space<vmem>>, vector<16xf32>,
        %add3A_104 = arith.addf %scan3A_74, %get3A_103 : vector<16xf32>
        scf.yield %add3A, %add3A_80, %add3A_84, %add3A_88, %add3A_92, %add3A_96, %add3A_100, %add3A_104 : vector<16xf32>, vector<16xf32>, vector<16xf32>, vector<16xf32>, vector<16xf32>, vector<16xf32>, vector<16xf32>, vector<16xf32>
      }
      %scan3A_50 = arith.constant 40 : i32
      %swap3A = arith.constant 0 : index
      %swap3A_51 = tpu.vector_load %arg14[%swap3A] {strides = array<i32>} : memref<128xf32, #tpu.memory_space<vmem>>, vector<16xf32>,
      tpu.vector_store %arg14[%swap3A], %scan3A_49#0 {strides = array<i32>} : memref<128xf32, #tpu.memory_space<vmem>>, vector<16xf32>,
      %swap3A_52 = arith.constant 16 : index
      %swap3A_53 = tpu.vector_load %arg14[%swap3A_52] {strides = array<i32>} : memref<128xf32, #tpu.memory_space<vmem>>, vector<16xf32>,
      tpu.vector_store %arg14[%swap3A_52], %scan3A_49#1 {strides = array<i32>} : memref<128xf32, #tpu.memory_space<vmem>>, vector<16xf32>,
      %swap3A_54 = arith.constant 32 : index
      %swap3A_55 = tpu.vector_load %arg14[%swap3A_54] {strides = array<i32>} : memref<128xf32, #tpu.memory_space<vmem>>, vector<16xf32>,
      tpu.vector_store %arg14[%swap3A_54], %scan3A_49#2 {strides = array<i32>} : memref<128xf32, #tpu.memory_space<vmem>>, vector<16xf32>,
      %swap3A_56 = arith.constant 48 : index
      %swap3A_57 = tpu.vector_load %arg14[%swap3A_56] {strides = array<i32>} : memref<128xf32, #tpu.memory_space<vmem>>, vector<16xf32>,
      tpu.vector_store %arg14[%swap3A_56], %scan3A_49#3 {strides = array<i32>} : memref<128xf32, #tpu.memory_space<vmem>>, vector<16xf32>,
      %swap3A_58 = arith.constant 64 : index
      %swap3A_59 = tpu.vector_load %arg14[%swap3A_58] {strides = array<i32>} : memref<128xf32, #tpu.memory_space<vmem>>, vector<16xf32>,
      tpu.vector_store %arg14[%swap3A_58], %scan3A_49#4 {strides = array<i32>} : memref<128xf32, #tpu.memory_space<vmem>>, vector<16xf32>,
      %swap3A_60 = arith.constant 80 : index
      %swap3A_61 = tpu.vector_load %arg14[%swap3A_60] {strides = array<i32>} : memref<128xf32, #tpu.memory_space<vmem>>, vector<16xf32>,
      tpu.vector_store %arg14[%swap3A_60], %scan3A_49#5 {strides = array<i32>} : memref<128xf32, #tpu.memory_space<vmem>>, vector<16xf32>,
      %swap3A_62 = arith.constant 96 : index
      %swap3A_63 = tpu.vector_load %arg14[%swap3A_62] {strides = array<i32>} : memref<128xf32, #tpu.memory_space<vmem>>, vector<16xf32>,
      tpu.vector_store %arg14[%swap3A_62], %scan3A_49#6 {strides = array<i32>} : memref<128xf32, #tpu.memory_space<vmem>>, vector<16xf32>,
      %swap3A_64 = arith.constant 112 : index
      %swap3A_65 = tpu.vector_load %arg14[%swap3A_64] {strides = array<i32>} : memref<128xf32, #tpu.memory_space<vmem>>, vector<16xf32>,
      tpu.vector_store %arg14[%swap3A_64], %scan3A_49#7 {strides = array<i32>} : memref<128xf32, #tpu.memory_space<vmem>>, vector<16xf32>,
      "tpu.region"() ({
        %run_scoped3A = tpu.sem_alloc : memref<!tpu.dma_semaphore, #tpu.memory_space<semaphore_mem>>
        %dma_start3A_66 = arith.constant 0 : i32
        %dma_start3A_67 = tpu.memref_slice %arg17[%arg1, %dma_start3A_66] : memref<16x128xf32, #tpu.memory_space<vmem_shared>> -> memref<1x128xf32, #tpu.memory_space<vmem_shared>>
        %dma_start3A_68 = tpu.memref_squeeze %dma_start3A_67 : memref<1x128xf32, #tpu.memory_space<vmem_shared>> -> memref<128xf32, #tpu.memory_space<vmem_shared>>
        %dma_start3A_69 = arith.constant 0 : i32
        %dma_start3A_70 = tpu.memref_slice %arg17[%arg1, %dma_start3A_69] : memref<16x128xf32, #tpu.memory_space<vmem_shared>> -> memref<1x128xf32, #tpu.memory_space<vmem_shared>>
        %dma_start3A_71 = tpu.memref_squeeze %dma_start3A_70 : memref<1x128xf32, #tpu.memory_space<vmem_shared>> -> memref<128xf32, #tpu.memory_space<vmem_shared>>
        tpu.enqueue_dma source(%arg14 : memref<128xf32, #tpu.memory_space<vmem>>) target(%dma_start3A_71 : memref<128xf32, #tpu.memory_space<vmem_shared>>) target_semaphore(%run_scoped3A : memref<!tpu.dma_semaphore, #tpu.memory_space<semaphore_mem>>)
        %dma_wait3A_72 = arith.constant 0 : i32
        %dma_wait3A_73 = tpu.memref_slice %arg17[%arg1, %dma_wait3A_72] : memref<16x128xf32, #tpu.memory_space<vmem_shared>> -> memref<1x128xf32, #tpu.memory_space<vmem_shared>>
        %dma_wait3A_74 = tpu.memref_squeeze %dma_wait3A_73 : memref<1x128xf32, #tpu.memory_space<vmem_shared>> -> memref<128xf32, #tpu.memory_space<vmem_shared>>
        %dma_wait3A_75 = arith.constant 0 : i32
        %dma_wait3A_76 = tpu.memref_slice %arg17[%arg1, %dma_wait3A_75] : memref<16x128xf32, #tpu.memory_space<vmem_shared>> -> memref<1x128xf32, #tpu.memory_space<vmem_shared>>
        %dma_wait3A_77 = tpu.memref_squeeze %dma_wait3A_76 : memref<1x128xf32, #tpu.memory_space<vmem_shared>> -> memref<128xf32, #tpu.memory_space<vmem_shared>>
        tpu.wait_dma2 semaphore(%run_scoped3A : memref<!tpu.dma_semaphore, #tpu.memory_space<semaphore_mem>>) src(%arg14 : memref<128xf32, #tpu.memory_space<vmem>>) dst(%dma_wait3A_77 : memref<128xf32, #tpu.memory_space<vmem_shared>>)
        tpu.yield
      }) : () -> ()
    } else {
    }
    %ge3A = arith.constant 5 : i32
    %ge3A_2 = arith.cmpi sge, %arg1, %ge3A : i32
    %lt3A_3 = arith.constant 10 : i32
    %lt3A_4 = arith.cmpi slt, %arg1, %lt3A_3 : i32
    %and3A = arith.andi %ge3A_2, %lt3A_4 : i1
    %convert_element_type3A_5 = arith.extui %and3A : i1 to i32
    %cond3A_6 = arith.constant 0 : i32
    %cond3A_7 = arith.cmpi ne, %convert_element_type3A_5, %cond3A_6 : i32
    scf.if %cond3A_7 {
      %sub3A = arith.constant 5 : i32
      %sub3A_25 = arith.subi %arg1, %sub3A : i32
      %mul3A = arith.constant 40 : i32
      %mul3A_26 = arith.muli %sub3A_25, %mul3A : i32
      "tpu.region"() ({
        %run_scoped3A = tpu.sem_alloc : memref<!tpu.dma_semaphore, #tpu.memory_space<semaphore_mem>>
        %dma_start3A_66 = tpu.memref_slice %arg3[%mul3A_26] : memref<200xi32, #tpu.memory_space<hbm>> -> memref<40xi32, #tpu.memory_space<hbm>>
        %dma_start3A_67 = tpu.memref_slice %arg3[%mul3A_26] : memref<200xi32, #tpu.memory_space<hbm>> -> memref<40xi32, #tpu.memory_space<hbm>>
        tpu.enqueue_dma source(%dma_start3A_67 : memref<40xi32, #tpu.memory_space<hbm>>) target(%arg10 : memref<40xi32, #tpu.memory_space<vmem>>) target_semaphore(%run_scoped3A : memref<!tpu.dma_semaphore, #tpu.memory_space<semaphore_mem>>)
        %dma_wait3A_68 = tpu.memref_slice %arg3[%mul3A_26] : memref<200xi32, #tpu.memory_space<hbm>> -> memref<40xi32, #tpu.memory_space<hbm>>
        %dma_wait3A_69 = tpu.memref_slice %arg3[%mul3A_26] : memref<200xi32, #tpu.memory_space<hbm>> -> memref<40xi32, #tpu.memory_space<hbm>>
        tpu.wait_dma2 semaphore(%run_scoped3A : memref<!tpu.dma_semaphore, #tpu.memory_space<semaphore_mem>>) src(%dma_wait3A_69 : memref<40xi32, #tpu.memory_space<hbm>>) dst(%arg10 : memref<40xi32, #tpu.memory_space<vmem>>)
        tpu.yield
      }) : () -> ()
      %dma_start3A = arith.constant 0 : i32
      %dma_start3A_27 = arith.constant 0 : i32
      %dma_start3A_28 = tpu.memref_slice %arg6[%dma_start3A, %dma_start3A_27] : memref<100000x128xf32, #tpu.memory_space<hbm>> -> memref<100000x128xf32, #tpu.memory_space<hbm>>
      tpu.enqueue_indirect_dma source(%dma_start3A_28 : memref<100000x128xf32, #tpu.memory_space<hbm>>) target(%arg11 : memref<40x128xf32, #tpu.memory_space<vmem>>) offsets(%arg10 : memref<40xi32, #tpu.memory_space<vmem>>) semaphore(%arg18 : memref<!tpu.dma_semaphore, #tpu.memory_space<semaphore_mem>>)
      %dma_wait3A = arith.constant 0 : i32
      %dma_wait3A_29 = arith.constant 0 : i32
      %dma_wait3A_30 = tpu.memref_slice %arg6[%dma_wait3A, %dma_wait3A_29] : memref<100000x128xf32, #tpu.memory_space<hbm>> -> memref<100000x128xf32, #tpu.memory_space<hbm>>
      tpu.wait_indirect_dma semaphore(%arg18 : memref<!tpu.dma_semaphore, #tpu.memory_space<semaphore_mem>>) src(%dma_wait3A_30 : memref<100000x128xf32, #tpu.memory_space<hbm>>) dst(%arg11 : memref<40x128xf32, #tpu.memory_space<vmem>>)
      %broadcast_in_dim3A = arith.constant 0.000000e+00 : f32
      %broadcast_in_dim3A_31 = vector.broadcast %broadcast_in_dim3A : f32 to vector<16xf32>
      %broadcast_in_dim3A_32 = arith.constant 0.000000e+00 : f32
      %broadcast_in_dim3A_33 = vector.broadcast %broadcast_in_dim3A_32 : f32 to vector<16xf32>
      %broadcast_in_dim3A_34 = arith.constant 0.000000e+00 : f32
      %broadcast_in_dim3A_35 = vector.broadcast %broadcast_in_dim3A_34 : f32 to vector<16xf32>
      %broadcast_in_dim3A_36 = arith.constant 0.000000e+00 : f32
      %broadcast_in_dim3A_37 = vector.broadcast %broadcast_in_dim3A_36 : f32 to vector<16xf32>
      %broadcast_in_dim3A_38 = arith.constant 0.000000e+00 : f32
      %broadcast_in_dim3A_39 = vector.broadcast %broadcast_in_dim3A_38 : f32 to vector<16xf32>
      %broadcast_in_dim3A_40 = arith.constant 0.000000e+00 : f32
      %broadcast_in_dim3A_41 = vector.broadcast %broadcast_in_dim3A_40 : f32 to vector<16xf32>
      %broadcast_in_dim3A_42 = arith.constant 0.000000e+00 : f32
      %broadcast_in_dim3A_43 = vector.broadcast %broadcast_in_dim3A_42 : f32 to vector<16xf32>
      %broadcast_in_dim3A_44 = arith.constant 0.000000e+00 : f32
      %broadcast_in_dim3A_45 = vector.broadcast %broadcast_in_dim3A_44 : f32 to vector<16xf32>
      %scan3A = arith.constant 0 : i32
      %scan3A_46 = arith.constant 40 : i32
      %scan3A_47 = arith.addi %scan3A, %scan3A_46 : i32
      %scan3A_48 = arith.constant 1 : i32
      %scan3A_49:8 = scf.for %scan3A_66 = %scan3A to %scan3A_47 step %scan3A_48 iter_args(%scan3A_67 = %broadcast_in_dim3A_31, %scan3A_68 = %broadcast_in_dim3A_33, %scan3A_69 = %broadcast_in_dim3A_35, %scan3A_70 = %broadcast_in_dim3A_37, %scan3A_71 = %broadcast_in_dim3A_39, %scan3A_72 = %broadcast_in_dim3A_41, %scan3A_73 = %broadcast_in_dim3A_43, %scan3A_74 = %broadcast_in_dim3A_45) -> (vector<16xf32>, vector<16xf32>, vector<16xf32>, vector<16xf32>, vector<16xf32>, vector<16xf32>, vector<16xf32>, vector<16xf32>)  : i32 {
        %get3A = arith.index_cast %scan3A_66 : i32 to index
        %get3A_75 = arith.constant 0 : index
        %get3A_76 = tpu.vector_load %arg11[%get3A, %get3A_75] {strides = array<i32>} : memref<40x128xf32, #tpu.memory_space<vmem>>, vector<16xf32>,
        %add3A = arith.addf %scan3A_67, %get3A_76 : vector<16xf32>
        %get3A_77 = arith.index_cast %scan3A_66 : i32 to index
        %get3A_78 = arith.constant 16 : index
        %get3A_79 = tpu.vector_load %arg11[%get3A_77, %get3A_78] {strides = array<i32>} : memref<40x128xf32, #tpu.memory_space<vmem>>, vector<16xf32>,
        %add3A_80 = arith.addf %scan3A_68, %get3A_79 : vector<16xf32>
        %get3A_81 = arith.index_cast %scan3A_66 : i32 to index
        %get3A_82 = arith.constant 32 : index
        %get3A_83 = tpu.vector_load %arg11[%get3A_81, %get3A_82] {strides = array<i32>} : memref<40x128xf32, #tpu.memory_space<vmem>>, vector<16xf32>,
        %add3A_84 = arith.addf %scan3A_69, %get3A_83 : vector<16xf32>
        %get3A_85 = arith.index_cast %scan3A_66 : i32 to index
        %get3A_86 = arith.constant 48 : index
        %get3A_87 = tpu.vector_load %arg11[%get3A_85, %get3A_86] {strides = array<i32>} : memref<40x128xf32, #tpu.memory_space<vmem>>, vector<16xf32>,
        %add3A_88 = arith.addf %scan3A_70, %get3A_87 : vector<16xf32>
        %get3A_89 = arith.index_cast %scan3A_66 : i32 to index
        %get3A_90 = arith.constant 64 : index
        %get3A_91 = tpu.vector_load %arg11[%get3A_89, %get3A_90] {strides = array<i32>} : memref<40x128xf32, #tpu.memory_space<vmem>>, vector<16xf32>,
        %add3A_92 = arith.addf %scan3A_71, %get3A_91 : vector<16xf32>
        %get3A_93 = arith.index_cast %scan3A_66 : i32 to index
        %get3A_94 = arith.constant 80 : index
        %get3A_95 = tpu.vector_load %arg11[%get3A_93, %get3A_94] {strides = array<i32>} : memref<40x128xf32, #tpu.memory_space<vmem>>, vector<16xf32>,
        %add3A_96 = arith.addf %scan3A_72, %get3A_95 : vector<16xf32>
        %get3A_97 = arith.index_cast %scan3A_66 : i32 to index
        %get3A_98 = arith.constant 96 : index
        %get3A_99 = tpu.vector_load %arg11[%get3A_97, %get3A_98] {strides = array<i32>} : memref<40x128xf32, #tpu.memory_space<vmem>>, vector<16xf32>,
        %add3A_100 = arith.addf %scan3A_73, %get3A_99 : vector<16xf32>
        %get3A_101 = arith.index_cast %scan3A_66 : i32 to index
        %get3A_102 = arith.constant 112 : index
        %get3A_103 = tpu.vector_load %arg11[%get3A_101, %get3A_102] {strides = array<i32>} : memref<40x128xf32, #tpu.memory_space<vmem>>, vector<16xf32>,
        %add3A_104 = arith.addf %scan3A_74, %get3A_103 : vector<16xf32>
        scf.yield %add3A, %add3A_80, %add3A_84, %add3A_88, %add3A_92, %add3A_96, %add3A_100, %add3A_104 : vector<16xf32>, vector<16xf32>, vector<16xf32>, vector<16xf32>, vector<16xf32>, vector<16xf32>, vector<16xf32>, vector<16xf32>
      }
      %scan3A_50 = arith.constant 40 : i32
      %swap3A = arith.constant 0 : index
      %swap3A_51 = tpu.vector_load %arg14[%swap3A] {strides = array<i32>} : memref<128xf32, #tpu.memory_space<vmem>>, vector<16xf32>,
      tpu.vector_store %arg14[%swap3A], %scan3A_49#0 {strides = array<i32>} : memref<128xf32, #tpu.memory_space<vmem>>, vector<16xf32>,
      %swap3A_52 = arith.constant 16 : index
      %swap3A_53 = tpu.vector_load %arg14[%swap3A_52] {strides = array<i32>} : memref<128xf32, #tpu.memory_space<vmem>>, vector<16xf32>,
      tpu.vector_store %arg14[%swap3A_52], %scan3A_49#1 {strides = array<i32>} : memref<128xf32, #tpu.memory_space<vmem>>, vector<16xf32>,
      %swap3A_54 = arith.constant 32 : index
      %swap3A_55 = tpu.vector_load %arg14[%swap3A_54] {strides = array<i32>} : memref<128xf32, #tpu.memory_space<vmem>>, vector<16xf32>,
      tpu.vector_store %arg14[%swap3A_54], %scan3A_49#2 {strides = array<i32>} : memref<128xf32, #tpu.memory_space<vmem>>, vector<16xf32>,
      %swap3A_56 = arith.constant 48 : index
      %swap3A_57 = tpu.vector_load %arg14[%swap3A_56] {strides = array<i32>} : memref<128xf32, #tpu.memory_space<vmem>>, vector<16xf32>,
      tpu.vector_store %arg14[%swap3A_56], %scan3A_49#3 {strides = array<i32>} : memref<128xf32, #tpu.memory_space<vmem>>, vector<16xf32>,
      %swap3A_58 = arith.constant 64 : index
      %swap3A_59 = tpu.vector_load %arg14[%swap3A_58] {strides = array<i32>} : memref<128xf32, #tpu.memory_space<vmem>>, vector<16xf32>,
      tpu.vector_store %arg14[%swap3A_58], %scan3A_49#4 {strides = array<i32>} : memref<128xf32, #tpu.memory_space<vmem>>, vector<16xf32>,
      %swap3A_60 = arith.constant 80 : index
      %swap3A_61 = tpu.vector_load %arg14[%swap3A_60] {strides = array<i32>} : memref<128xf32, #tpu.memory_space<vmem>>, vector<16xf32>,
      tpu.vector_store %arg14[%swap3A_60], %scan3A_49#5 {strides = array<i32>} : memref<128xf32, #tpu.memory_space<vmem>>, vector<16xf32>,
      %swap3A_62 = arith.constant 96 : index
      %swap3A_63 = tpu.vector_load %arg14[%swap3A_62] {strides = array<i32>} : memref<128xf32, #tpu.memory_space<vmem>>, vector<16xf32>,
      tpu.vector_store %arg14[%swap3A_62], %scan3A_49#6 {strides = array<i32>} : memref<128xf32, #tpu.memory_space<vmem>>, vector<16xf32>,
      %swap3A_64 = arith.constant 112 : index
      %swap3A_65 = tpu.vector_load %arg14[%swap3A_64] {strides = array<i32>} : memref<128xf32, #tpu.memory_space<vmem>>, vector<16xf32>,
      tpu.vector_store %arg14[%swap3A_64], %scan3A_49#7 {strides = array<i32>} : memref<128xf32, #tpu.memory_space<vmem>>, vector<16xf32>,
      "tpu.region"() ({
        %run_scoped3A = tpu.sem_alloc : memref<!tpu.dma_semaphore, #tpu.memory_space<semaphore_mem>>
        %dma_start3A_66 = arith.constant 0 : i32
        %dma_start3A_67 = tpu.memref_slice %arg17[%arg1, %dma_start3A_66] : memref<16x128xf32, #tpu.memory_space<vmem_shared>> -> memref<1x128xf32, #tpu.memory_space<vmem_shared>>
        %dma_start3A_68 = tpu.memref_squeeze %dma_start3A_67 : memref<1x128xf32, #tpu.memory_space<vmem_shared>> -> memref<128xf32, #tpu.memory_space<vmem_shared>>
        %dma_start3A_69 = arith.constant 0 : i32
        %dma_start3A_70 = tpu.memref_slice %arg17[%arg1, %dma_start3A_69] : memref<16x128xf32, #tpu.memory_space<vmem_shared>> -> memref<1x128xf32, #tpu.memory_space<vmem_shared>>
        %dma_start3A_71 = tpu.memref_squeeze %dma_start3A_70 : memref<1x128xf32, #tpu.memory_space<vmem_shared>> -> memref<128xf32, #tpu.memory_space<vmem_shared>>
        tpu.enqueue_dma source(%arg14 : memref<128xf32, #tpu.memory_space<vmem>>) target(%dma_start3A_71 : memref<128xf32, #tpu.memory_space<vmem_shared>>) target_semaphore(%run_scoped3A : memref<!tpu.dma_semaphore, #tpu.memory_space<semaphore_mem>>)
        %dma_wait3A_72 = arith.constant 0 : i32
        %dma_wait3A_73 = tpu.memref_slice %arg17[%arg1, %dma_wait3A_72] : memref<16x128xf32, #tpu.memory_space<vmem_shared>> -> memref<1x128xf32, #tpu.memory_space<vmem_shared>>
        %dma_wait3A_74 = tpu.memref_squeeze %dma_wait3A_73 : memref<1x128xf32, #tpu.memory_space<vmem_shared>> -> memref<128xf32, #tpu.memory_space<vmem_shared>>
        %dma_wait3A_75 = arith.constant 0 : i32
        %dma_wait3A_76 = tpu.memref_slice %arg17[%arg1, %dma_wait3A_75] : memref<16x128xf32, #tpu.memory_space<vmem_shared>> -> memref<1x128xf32, #tpu.memory_space<vmem_shared>>
        %dma_wait3A_77 = tpu.memref_squeeze %dma_wait3A_76 : memref<1x128xf32, #tpu.memory_space<vmem_shared>> -> memref<128xf32, #tpu.memory_space<vmem_shared>>
        tpu.wait_dma2 semaphore(%run_scoped3A : memref<!tpu.dma_semaphore, #tpu.memory_space<semaphore_mem>>) src(%arg14 : memref<128xf32, #tpu.memory_space<vmem>>) dst(%dma_wait3A_77 : memref<128xf32, #tpu.memory_space<vmem_shared>>)
        tpu.yield
      }) : () -> ()
    } else {
    }
    %ge3A_8 = arith.constant 10 : i32
    %ge3A_9 = arith.cmpi sge, %arg1, %ge3A_8 : i32
    %lt3A_10 = arith.constant 15 : i32
    %lt3A_11 = arith.cmpi slt, %arg1, %lt3A_10 : i32
    %and3A_12 = arith.andi %ge3A_9, %lt3A_11 : i1
    %convert_element_type3A_13 = arith.extui %and3A_12 : i1 to i32
    %cond3A_14 = arith.constant 0 : i32
    %cond3A_15 = arith.cmpi ne, %convert_element_type3A_13, %cond3A_14 : i32
    scf.if %cond3A_15 {
      %sub3A = arith.constant 10 : i32
      %sub3A_25 = arith.subi %arg1, %sub3A : i32
      %mul3A = arith.constant 40 : i32
      %mul3A_26 = arith.muli %sub3A_25, %mul3A : i32
      "tpu.region"() ({
        %run_scoped3A = tpu.sem_alloc : memref<!tpu.dma_semaphore, #tpu.memory_space<semaphore_mem>>
        %dma_start3A_66 = tpu.memref_slice %arg4[%mul3A_26] : memref<200xi32, #tpu.memory_space<hbm>> -> memref<40xi32, #tpu.memory_space<hbm>>
        %dma_start3A_67 = tpu.memref_slice %arg4[%mul3A_26] : memref<200xi32, #tpu.memory_space<hbm>> -> memref<40xi32, #tpu.memory_space<hbm>>
        tpu.enqueue_dma source(%dma_start3A_67 : memref<40xi32, #tpu.memory_space<hbm>>) target(%arg10 : memref<40xi32, #tpu.memory_space<vmem>>) target_semaphore(%run_scoped3A : memref<!tpu.dma_semaphore, #tpu.memory_space<semaphore_mem>>)
        %dma_wait3A_68 = tpu.memref_slice %arg4[%mul3A_26] : memref<200xi32, #tpu.memory_space<hbm>> -> memref<40xi32, #tpu.memory_space<hbm>>
        %dma_wait3A_69 = tpu.memref_slice %arg4[%mul3A_26] : memref<200xi32, #tpu.memory_space<hbm>> -> memref<40xi32, #tpu.memory_space<hbm>>
        tpu.wait_dma2 semaphore(%run_scoped3A : memref<!tpu.dma_semaphore, #tpu.memory_space<semaphore_mem>>) src(%dma_wait3A_69 : memref<40xi32, #tpu.memory_space<hbm>>) dst(%arg10 : memref<40xi32, #tpu.memory_space<vmem>>)
        tpu.yield
      }) : () -> ()
      %dma_start3A = arith.constant 0 : i32
      %dma_start3A_27 = arith.constant 0 : i32
      %dma_start3A_28 = tpu.memref_slice %arg7[%dma_start3A, %dma_start3A_27] : memref<1000x128xf32, #tpu.memory_space<hbm>> -> memref<1000x128xf32, #tpu.memory_space<hbm>>
      tpu.enqueue_indirect_dma source(%dma_start3A_28 : memref<1000x128xf32, #tpu.memory_space<hbm>>) target(%arg11 : memref<40x128xf32, #tpu.memory_space<vmem>>) offsets(%arg10 : memref<40xi32, #tpu.memory_space<vmem>>) semaphore(%arg18 : memref<!tpu.dma_semaphore, #tpu.memory_space<semaphore_mem>>)
      %dma_wait3A = arith.constant 0 : i32
      %dma_wait3A_29 = arith.constant 0 : i32
      %dma_wait3A_30 = tpu.memref_slice %arg7[%dma_wait3A, %dma_wait3A_29] : memref<1000x128xf32, #tpu.memory_space<hbm>> -> memref<1000x128xf32, #tpu.memory_space<hbm>>
      tpu.wait_indirect_dma semaphore(%arg18 : memref<!tpu.dma_semaphore, #tpu.memory_space<semaphore_mem>>) src(%dma_wait3A_30 : memref<1000x128xf32, #tpu.memory_space<hbm>>) dst(%arg11 : memref<40x128xf32, #tpu.memory_space<vmem>>)
      %broadcast_in_dim3A = arith.constant 0.000000e+00 : f32
      %broadcast_in_dim3A_31 = vector.broadcast %broadcast_in_dim3A : f32 to vector<16xf32>
      %broadcast_in_dim3A_32 = arith.constant 0.000000e+00 : f32
      %broadcast_in_dim3A_33 = vector.broadcast %broadcast_in_dim3A_32 : f32 to vector<16xf32>
      %broadcast_in_dim3A_34 = arith.constant 0.000000e+00 : f32
      %broadcast_in_dim3A_35 = vector.broadcast %broadcast_in_dim3A_34 : f32 to vector<16xf32>
      %broadcast_in_dim3A_36 = arith.constant 0.000000e+00 : f32
      %broadcast_in_dim3A_37 = vector.broadcast %broadcast_in_dim3A_36 : f32 to vector<16xf32>
      %broadcast_in_dim3A_38 = arith.constant 0.000000e+00 : f32
      %broadcast_in_dim3A_39 = vector.broadcast %broadcast_in_dim3A_38 : f32 to vector<16xf32>
      %broadcast_in_dim3A_40 = arith.constant 0.000000e+00 : f32
      %broadcast_in_dim3A_41 = vector.broadcast %broadcast_in_dim3A_40 : f32 to vector<16xf32>
      %broadcast_in_dim3A_42 = arith.constant 0.000000e+00 : f32
      %broadcast_in_dim3A_43 = vector.broadcast %broadcast_in_dim3A_42 : f32 to vector<16xf32>
      %broadcast_in_dim3A_44 = arith.constant 0.000000e+00 : f32
      %broadcast_in_dim3A_45 = vector.broadcast %broadcast_in_dim3A_44 : f32 to vector<16xf32>
      %scan3A = arith.constant 0 : i32
      %scan3A_46 = arith.constant 40 : i32
      %scan3A_47 = arith.addi %scan3A, %scan3A_46 : i32
      %scan3A_48 = arith.constant 1 : i32
      %scan3A_49:8 = scf.for %scan3A_66 = %scan3A to %scan3A_47 step %scan3A_48 iter_args(%scan3A_67 = %broadcast_in_dim3A_31, %scan3A_68 = %broadcast_in_dim3A_33, %scan3A_69 = %broadcast_in_dim3A_35, %scan3A_70 = %broadcast_in_dim3A_37, %scan3A_71 = %broadcast_in_dim3A_39, %scan3A_72 = %broadcast_in_dim3A_41, %scan3A_73 = %broadcast_in_dim3A_43, %scan3A_74 = %broadcast_in_dim3A_45) -> (vector<16xf32>, vector<16xf32>, vector<16xf32>, vector<16xf32>, vector<16xf32>, vector<16xf32>, vector<16xf32>, vector<16xf32>)  : i32 {
        %get3A = arith.index_cast %scan3A_66 : i32 to index
        %get3A_75 = arith.constant 0 : index
        %get3A_76 = tpu.vector_load %arg11[%get3A, %get3A_75] {strides = array<i32>} : memref<40x128xf32, #tpu.memory_space<vmem>>, vector<16xf32>,
        %add3A = arith.addf %scan3A_67, %get3A_76 : vector<16xf32>
        %get3A_77 = arith.index_cast %scan3A_66 : i32 to index
        %get3A_78 = arith.constant 16 : index
        %get3A_79 = tpu.vector_load %arg11[%get3A_77, %get3A_78] {strides = array<i32>} : memref<40x128xf32, #tpu.memory_space<vmem>>, vector<16xf32>,
        %add3A_80 = arith.addf %scan3A_68, %get3A_79 : vector<16xf32>
        %get3A_81 = arith.index_cast %scan3A_66 : i32 to index
        %get3A_82 = arith.constant 32 : index
        %get3A_83 = tpu.vector_load %arg11[%get3A_81, %get3A_82] {strides = array<i32>} : memref<40x128xf32, #tpu.memory_space<vmem>>, vector<16xf32>,
        %add3A_84 = arith.addf %scan3A_69, %get3A_83 : vector<16xf32>
        %get3A_85 = arith.index_cast %scan3A_66 : i32 to index
        %get3A_86 = arith.constant 48 : index
        %get3A_87 = tpu.vector_load %arg11[%get3A_85, %get3A_86] {strides = array<i32>} : memref<40x128xf32, #tpu.memory_space<vmem>>, vector<16xf32>,
        %add3A_88 = arith.addf %scan3A_70, %get3A_87 : vector<16xf32>
        %get3A_89 = arith.index_cast %scan3A_66 : i32 to index
        %get3A_90 = arith.constant 64 : index
        %get3A_91 = tpu.vector_load %arg11[%get3A_89, %get3A_90] {strides = array<i32>} : memref<40x128xf32, #tpu.memory_space<vmem>>, vector<16xf32>,
        %add3A_92 = arith.addf %scan3A_71, %get3A_91 : vector<16xf32>
        %get3A_93 = arith.index_cast %scan3A_66 : i32 to index
        %get3A_94 = arith.constant 80 : index
        %get3A_95 = tpu.vector_load %arg11[%get3A_93, %get3A_94] {strides = array<i32>} : memref<40x128xf32, #tpu.memory_space<vmem>>, vector<16xf32>,
        %add3A_96 = arith.addf %scan3A_72, %get3A_95 : vector<16xf32>
        %get3A_97 = arith.index_cast %scan3A_66 : i32 to index
        %get3A_98 = arith.constant 96 : index
        %get3A_99 = tpu.vector_load %arg11[%get3A_97, %get3A_98] {strides = array<i32>} : memref<40x128xf32, #tpu.memory_space<vmem>>, vector<16xf32>,
        %add3A_100 = arith.addf %scan3A_73, %get3A_99 : vector<16xf32>
        %get3A_101 = arith.index_cast %scan3A_66 : i32 to index
        %get3A_102 = arith.constant 112 : index
        %get3A_103 = tpu.vector_load %arg11[%get3A_101, %get3A_102] {strides = array<i32>} : memref<40x128xf32, #tpu.memory_space<vmem>>, vector<16xf32>,
        %add3A_104 = arith.addf %scan3A_74, %get3A_103 : vector<16xf32>
        scf.yield %add3A, %add3A_80, %add3A_84, %add3A_88, %add3A_92, %add3A_96, %add3A_100, %add3A_104 : vector<16xf32>, vector<16xf32>, vector<16xf32>, vector<16xf32>, vector<16xf32>, vector<16xf32>, vector<16xf32>, vector<16xf32>
      }
      %scan3A_50 = arith.constant 40 : i32
      %swap3A = arith.constant 0 : index
      %swap3A_51 = tpu.vector_load %arg14[%swap3A] {strides = array<i32>} : memref<128xf32, #tpu.memory_space<vmem>>, vector<16xf32>,
      tpu.vector_store %arg14[%swap3A], %scan3A_49#0 {strides = array<i32>} : memref<128xf32, #tpu.memory_space<vmem>>, vector<16xf32>,
      %swap3A_52 = arith.constant 16 : index
      %swap3A_53 = tpu.vector_load %arg14[%swap3A_52] {strides = array<i32>} : memref<128xf32, #tpu.memory_space<vmem>>, vector<16xf32>,
      tpu.vector_store %arg14[%swap3A_52], %scan3A_49#1 {strides = array<i32>} : memref<128xf32, #tpu.memory_space<vmem>>, vector<16xf32>,
      %swap3A_54 = arith.constant 32 : index
      %swap3A_55 = tpu.vector_load %arg14[%swap3A_54] {strides = array<i32>} : memref<128xf32, #tpu.memory_space<vmem>>, vector<16xf32>,
      tpu.vector_store %arg14[%swap3A_54], %scan3A_49#2 {strides = array<i32>} : memref<128xf32, #tpu.memory_space<vmem>>, vector<16xf32>,
      %swap3A_56 = arith.constant 48 : index
      %swap3A_57 = tpu.vector_load %arg14[%swap3A_56] {strides = array<i32>} : memref<128xf32, #tpu.memory_space<vmem>>, vector<16xf32>,
      tpu.vector_store %arg14[%swap3A_56], %scan3A_49#3 {strides = array<i32>} : memref<128xf32, #tpu.memory_space<vmem>>, vector<16xf32>,
      %swap3A_58 = arith.constant 64 : index
      %swap3A_59 = tpu.vector_load %arg14[%swap3A_58] {strides = array<i32>} : memref<128xf32, #tpu.memory_space<vmem>>, vector<16xf32>,
      tpu.vector_store %arg14[%swap3A_58], %scan3A_49#4 {strides = array<i32>} : memref<128xf32, #tpu.memory_space<vmem>>, vector<16xf32>,
      %swap3A_60 = arith.constant 80 : index
      %swap3A_61 = tpu.vector_load %arg14[%swap3A_60] {strides = array<i32>} : memref<128xf32, #tpu.memory_space<vmem>>, vector<16xf32>,
      tpu.vector_store %arg14[%swap3A_60], %scan3A_49#5 {strides = array<i32>} : memref<128xf32, #tpu.memory_space<vmem>>, vector<16xf32>,
      %swap3A_62 = arith.constant 96 : index
      %swap3A_63 = tpu.vector_load %arg14[%swap3A_62] {strides = array<i32>} : memref<128xf32, #tpu.memory_space<vmem>>, vector<16xf32>,
      tpu.vector_store %arg14[%swap3A_62], %scan3A_49#6 {strides = array<i32>} : memref<128xf32, #tpu.memory_space<vmem>>, vector<16xf32>,
      %swap3A_64 = arith.constant 112 : index
      %swap3A_65 = tpu.vector_load %arg14[%swap3A_64] {strides = array<i32>} : memref<128xf32, #tpu.memory_space<vmem>>, vector<16xf32>,
      tpu.vector_store %arg14[%swap3A_64], %scan3A_49#7 {strides = array<i32>} : memref<128xf32, #tpu.memory_space<vmem>>, vector<16xf32>,
      "tpu.region"() ({
        %run_scoped3A = tpu.sem_alloc : memref<!tpu.dma_semaphore, #tpu.memory_space<semaphore_mem>>
        %dma_start3A_66 = arith.constant 0 : i32
        %dma_start3A_67 = tpu.memref_slice %arg17[%arg1, %dma_start3A_66] : memref<16x128xf32, #tpu.memory_space<vmem_shared>> -> memref<1x128xf32, #tpu.memory_space<vmem_shared>>
        %dma_start3A_68 = tpu.memref_squeeze %dma_start3A_67 : memref<1x128xf32, #tpu.memory_space<vmem_shared>> -> memref<128xf32, #tpu.memory_space<vmem_shared>>
        %dma_start3A_69 = arith.constant 0 : i32
        %dma_start3A_70 = tpu.memref_slice %arg17[%arg1, %dma_start3A_69] : memref<16x128xf32, #tpu.memory_space<vmem_shared>> -> memref<1x128xf32, #tpu.memory_space<vmem_shared>>
        %dma_start3A_71 = tpu.memref_squeeze %dma_start3A_70 : memref<1x128xf32, #tpu.memory_space<vmem_shared>> -> memref<128xf32, #tpu.memory_space<vmem_shared>>
        tpu.enqueue_dma source(%arg14 : memref<128xf32, #tpu.memory_space<vmem>>) target(%dma_start3A_71 : memref<128xf32, #tpu.memory_space<vmem_shared>>) target_semaphore(%run_scoped3A : memref<!tpu.dma_semaphore, #tpu.memory_space<semaphore_mem>>)
        %dma_wait3A_72 = arith.constant 0 : i32
        %dma_wait3A_73 = tpu.memref_slice %arg17[%arg1, %dma_wait3A_72] : memref<16x128xf32, #tpu.memory_space<vmem_shared>> -> memref<1x128xf32, #tpu.memory_space<vmem_shared>>
        %dma_wait3A_74 = tpu.memref_squeeze %dma_wait3A_73 : memref<1x128xf32, #tpu.memory_space<vmem_shared>> -> memref<128xf32, #tpu.memory_space<vmem_shared>>
        %dma_wait3A_75 = arith.constant 0 : i32
        %dma_wait3A_76 = tpu.memref_slice %arg17[%arg1, %dma_wait3A_75] : memref<16x128xf32, #tpu.memory_space<vmem_shared>> -> memref<1x128xf32, #tpu.memory_space<vmem_shared>>
        %dma_wait3A_77 = tpu.memref_squeeze %dma_wait3A_76 : memref<1x128xf32, #tpu.memory_space<vmem_shared>> -> memref<128xf32, #tpu.memory_space<vmem_shared>>
        tpu.wait_dma2 semaphore(%run_scoped3A : memref<!tpu.dma_semaphore, #tpu.memory_space<semaphore_mem>>) src(%arg14 : memref<128xf32, #tpu.memory_space<vmem>>) dst(%dma_wait3A_77 : memref<128xf32, #tpu.memory_space<vmem_shared>>)
        tpu.yield
      }) : () -> ()
    } else {
    }
    %eq3A = arith.constant 15 : i32
    %eq3A_16 = arith.cmpi eq, %arg1, %eq3A : i32
    %convert_element_type3A_17 = arith.extui %eq3A_16 : i1 to i32
    %cond3A_18 = arith.constant 0 : i32
    %cond3A_19 = arith.cmpi ne, %convert_element_type3A_17, %cond3A_18 : i32
    scf.if %cond3A_19 {
      "tpu.region"() ({
        %run_scoped3A = tpu.sem_alloc : memref<!tpu.dma_semaphore, #tpu.memory_space<semaphore_mem>>
        tpu.enqueue_dma source(%arg5 : memref<1xi32, #tpu.memory_space<hbm>>) target(%arg12 : memref<1xi32, #tpu.memory_space<vmem>>) target_semaphore(%run_scoped3A : memref<!tpu.dma_semaphore, #tpu.memory_space<semaphore_mem>>)
        tpu.wait_dma2 semaphore(%run_scoped3A : memref<!tpu.dma_semaphore, #tpu.memory_space<semaphore_mem>>) src(%arg5 : memref<1xi32, #tpu.memory_space<hbm>>) dst(%arg12 : memref<1xi32, #tpu.memory_space<vmem>>)
        tpu.yield
      }) : () -> ()
      %dma_start3A = arith.constant 0 : i32
      %dma_start3A_25 = arith.constant 0 : i32
      %dma_start3A_26 = tpu.memref_slice %arg6[%dma_start3A, %dma_start3A_25] : memref<100000x128xf32, #tpu.memory_space<hbm>> -> memref<100000x128xf32, #tpu.memory_space<hbm>>
      tpu.enqueue_indirect_dma source(%dma_start3A_26 : memref<100000x128xf32, #tpu.memory_space<hbm>>) target(%arg13 : memref<1x128xf32, #tpu.memory_space<vmem>>) offsets(%arg12 : memref<1xi32, #tpu.memory_space<vmem>>) semaphore(%arg18 : memref<!tpu.dma_semaphore, #tpu.memory_space<semaphore_mem>>)
      %dma_wait3A = arith.constant 0 : i32
      %dma_wait3A_27 = arith.constant 0 : i32
      %dma_wait3A_28 = tpu.memref_slice %arg6[%dma_wait3A, %dma_wait3A_27] : memref<100000x128xf32, #tpu.memory_space<hbm>> -> memref<100000x128xf32, #tpu.memory_space<hbm>>
      tpu.wait_indirect_dma semaphore(%arg18 : memref<!tpu.dma_semaphore, #tpu.memory_space<semaphore_mem>>) src(%dma_wait3A_28 : memref<100000x128xf32, #tpu.memory_space<hbm>>) dst(%arg13 : memref<1x128xf32, #tpu.memory_space<vmem>>)
    } else {
    }
    %barrier3A = arith.constant 0 : index
    tpu.barrier barrier_id(%barrier3A)
    %eq3A_20 = arith.constant 15 : i32
    %eq3A_21 = arith.cmpi eq, %arg1, %eq3A_20 : i32
    %convert_element_type3A_22 = arith.extui %eq3A_21 : i1 to i32
    %cond3A_23 = arith.constant 0 : i32
    %cond3A_24 = arith.cmpi ne, %convert_element_type3A_22, %cond3A_23 : i32
    scf.if %cond3A_24 {
      "tpu.region"() ({
        %run_scoped3A = tpu.sem_alloc : memref<!tpu.dma_semaphore, #tpu.memory_space<semaphore_mem>>
        tpu.enqueue_dma source(%arg17 : memref<16x128xf32, #tpu.memory_space<vmem_shared>>) target(%arg15 : memref<16x128xf32, #tpu.memory_space<vmem>>) target_semaphore(%run_scoped3A : memref<!tpu.dma_semaphore, #tpu.memory_space<semaphore_mem>>)
        tpu.wait_dma2 semaphore(%run_scoped3A : memref<!tpu.dma_semaphore, #tpu.memory_space<semaphore_mem>>) src(%arg17 : memref<16x128xf32, #tpu.memory_space<vmem_shared>>) dst(%arg15 : memref<16x128xf32, #tpu.memory_space<vmem>>)
        tpu.yield
      }) : () -> ()
      %broadcast_in_dim3A = arith.constant 0.000000e+00 : f32
      %broadcast_in_dim3A_25 = vector.broadcast %broadcast_in_dim3A : f32 to vector<16xf32>
      %broadcast_in_dim3A_26 = arith.constant 0.000000e+00 : f32
      %broadcast_in_dim3A_27 = vector.broadcast %broadcast_in_dim3A_26 : f32 to vector<16xf32>
      %broadcast_in_dim3A_28 = arith.constant 0.000000e+00 : f32
      %broadcast_in_dim3A_29 = vector.broadcast %broadcast_in_dim3A_28 : f32 to vector<16xf32>
      %scan3A = arith.constant 0 : i32
      %scan3A_30 = arith.constant 8 : i32
      %scan3A_31 = arith.addi %scan3A, %scan3A_30 : i32
      %scan3A_32 = arith.constant 1 : i32
      %scan3A_33:6 = scf.for %scan3A_135 = %scan3A to %scan3A_31 step %scan3A_32 iter_args(%scan3A_136 = %broadcast_in_dim3A_25, %scan3A_137 = %broadcast_in_dim3A_27, %scan3A_138 = %broadcast_in_dim3A_29, %scan3A_139 = %broadcast_in_dim3A_25, %scan3A_140 = %broadcast_in_dim3A_27, %scan3A_141 = %broadcast_in_dim3A_29) -> (vector<16xf32>, vector<16xf32>, vector<16xf32>, vector<16xf32>, vector<16xf32>, vector<16xf32>)  : i32 {
        %mul3A_142 = arith.constant 16 : i32
        %mul3A_143 = arith.muli %mul3A_142, %scan3A_135 : i32
        %get3A = arith.constant 0 : i32
        %get3A_144 = arith.index_cast %get3A : i32 to index
        %get3A_145 = arith.index_cast %mul3A_143 : i32 to index
        %get3A_146 = tpu.vector_load %arg13[%get3A_144, %get3A_145] {strides = array<i32>} : memref<1x128xf32, #tpu.memory_space<vmem>>, vector<16xf32>,
        %broadcast_in_dim3A_147 = arith.constant 0.000000e+00 : f32
        %broadcast_in_dim3A_148 = vector.broadcast %broadcast_in_dim3A_147 : f32 to vector<16xf32>
        %scan3A_149 = arith.constant 0 : i32
        %scan3A_150 = arith.constant 5 : i32
        %scan3A_151 = arith.addi %scan3A_149, %scan3A_150 : i32
        %scan3A_152 = arith.constant 1 : i32
        %scan3A_153 = scf.for %scan3A_183 = %scan3A_149 to %scan3A_151 step %scan3A_152 iter_args(%scan3A_184 = %broadcast_in_dim3A_148) -> (vector<16xf32>)  : i32 {
          %add3A_185 = arith.constant 0 : i32
          %add3A_186 = arith.addi %add3A_185, %scan3A_183 : i32
          %mul3A_187 = arith.constant 16 : i32
          %mul3A_188 = arith.muli %mul3A_187, %scan3A_135 : i32
          %get3A_189 = arith.index_cast %add3A_186 : i32 to index
          %get3A_190 = arith.index_cast %mul3A_188 : i32 to index
          %get3A_191 = tpu.vector_load %arg15[%get3A_189, %get3A_190] {strides = array<i32>} : memref<16x128xf32, #tpu.memory_space<vmem>>, vector<16xf32>,
          %add3A_192 = arith.addf %scan3A_184, %get3A_191 : vector<16xf32>
          scf.yield %add3A_192 : vector<16xf32>
        }
        %scan3A_154 = arith.constant 5 : i32
        %mul3A_155 = arith.mulf %get3A_146, %scan3A_153 : vector<16xf32>
        %add3A_156 = arith.addf %scan3A_136, %mul3A_155 : vector<16xf32>
        %mul3A_157 = arith.mulf %scan3A_153, %scan3A_153 : vector<16xf32>
        %add3A_158 = arith.addf %scan3A_139, %mul3A_157 : vector<16xf32>
        %broadcast_in_dim3A_159 = arith.constant 0.000000e+00 : f32
        %broadcast_in_dim3A_160 = vector.broadcast %broadcast_in_dim3A_159 : f32 to vector<16xf32>
        %scan3A_161 = arith.constant 0 : i32
        %scan3A_162 = arith.constant 5 : i32
        %scan3A_163 = arith.addi %scan3A_161, %scan3A_162 : i32
        %scan3A_164 = arith.constant 1 : i32
        %scan3A_165 = scf.for %scan3A_183 = %scan3A_161 to %scan3A_163 step %scan3A_164 iter_args(%scan3A_184 = %broadcast_in_dim3A_160) -> (vector<16xf32>)  : i32 {
          %add3A_185 = arith.constant 5 : i32
          %add3A_186 = arith.addi %add3A_185, %scan3A_183 : i32
          %mul3A_187 = arith.constant 16 : i32
          %mul3A_188 = arith.muli %mul3A_187, %scan3A_135 : i32
          %get3A_189 = arith.index_cast %add3A_186 : i32 to index
          %get3A_190 = arith.index_cast %mul3A_188 : i32 to index
          %get3A_191 = tpu.vector_load %arg15[%get3A_189, %get3A_190] {strides = array<i32>} : memref<16x128xf32, #tpu.memory_space<vmem>>, vector<16xf32>,
          %add3A_192 = arith.addf %scan3A_184, %get3A_191 : vector<16xf32>
          scf.yield %add3A_192 : vector<16xf32>
        }
        %scan3A_166 = arith.constant 5 : i32
        %mul3A_167 = arith.mulf %get3A_146, %scan3A_165 : vector<16xf32>
        %add3A_168 = arith.addf %scan3A_137, %mul3A_167 : vector<16xf32>
        %mul3A_169 = arith.mulf %scan3A_165, %scan3A_165 : vector<16xf32>
        %add3A_170 = arith.addf %scan3A_140, %mul3A_169 : vector<16xf32>
        %broadcast_in_dim3A_171 = arith.constant 0.000000e+00 : f32
        %broadcast_in_dim3A_172 = vector.broadcast %broadcast_in_dim3A_171 : f32 to vector<16xf32>
        %scan3A_173 = arith.constant 0 : i32
        %scan3A_174 = arith.constant 5 : i32
        %scan3A_175 = arith.addi %scan3A_173, %scan3A_174 : i32
        %scan3A_176 = arith.constant 1 : i32
        %scan3A_177 = scf.for %scan3A_183 = %scan3A_173 to %scan3A_175 step %scan3A_176 iter_args(%scan3A_184 = %broadcast_in_dim3A_172) -> (vector<16xf32>)  : i32 {
          %add3A_185 = arith.constant 10 : i32
          %add3A_186 = arith.addi %add3A_185, %scan3A_183 : i32
          %mul3A_187 = arith.constant 16 : i32
          %mul3A_188 = arith.muli %mul3A_187, %scan3A_135 : i32
          %get3A_189 = arith.index_cast %add3A_186 : i32 to index
          %get3A_190 = arith.index_cast %mul3A_188 : i32 to index
          %get3A_191 = tpu.vector_load %arg15[%get3A_189, %get3A_190] {strides = array<i32>} : memref<16x128xf32, #tpu.memory_space<vmem>>, vector<16xf32>,
          %add3A_192 = arith.addf %scan3A_184, %get3A_191 : vector<16xf32>
          scf.yield %add3A_192 : vector<16xf32>
        }
        %scan3A_178 = arith.constant 5 : i32
        %mul3A_179 = arith.mulf %get3A_146, %scan3A_177 : vector<16xf32>
        %add3A_180 = arith.addf %scan3A_138, %mul3A_179 : vector<16xf32>
        %mul3A_181 = arith.mulf %scan3A_177, %scan3A_177 : vector<16xf32>
        %add3A_182 = arith.addf %scan3A_141, %mul3A_181 : vector<16xf32>
        scf.yield %add3A_156, %add3A_168, %add3A_180, %add3A_158, %add3A_170, %add3A_182 : vector<16xf32>, vector<16xf32>, vector<16xf32>, vector<16xf32>, vector<16xf32>, vector<16xf32>
      }
      %scan3A_34 = arith.constant 8 : i32
      %reduce_sum3A = arith.constant true
      %reduce_sum3A_35 = vector.broadcast %reduce_sum3A : i1 to vector<16xi1>
      %reduce_sum3A_36 = tpu.scan <sum>, %scan3A_33#0 masked %reduce_sum3A_35 : vector<16xf32>, vector<16xi1> -> vector<16xf32>
      %reduce_sum3A_37 = vector.extract %reduce_sum3A_36[15] : f32 from vector<16xf32>
      %broadcast_in_dim3A_38 = vector.broadcast %reduce_sum3A_37 : f32 to vector<16xf32>
      %reduce_sum3A_39 = arith.constant true
      %reduce_sum3A_40 = vector.broadcast %reduce_sum3A_39 : i1 to vector<16xi1>
      %reduce_sum3A_41 = tpu.scan <sum>, %scan3A_33#3 masked %reduce_sum3A_40 : vector<16xf32>, vector<16xi1> -> vector<16xf32>
      %reduce_sum3A_42 = vector.extract %reduce_sum3A_41[15] : f32 from vector<16xf32>
      %broadcast_in_dim3A_43 = vector.broadcast %reduce_sum3A_42 : f32 to vector<16xf32>
      %div3A = arith.divf %broadcast_in_dim3A_38, %broadcast_in_dim3A_43 : vector<16xf32>
      %reduce_sum3A_44 = arith.constant true
      %reduce_sum3A_45 = vector.broadcast %reduce_sum3A_44 : i1 to vector<16xi1>
      %reduce_sum3A_46 = tpu.scan <sum>, %scan3A_33#1 masked %reduce_sum3A_45 : vector<16xf32>, vector<16xi1> -> vector<16xf32>
      %reduce_sum3A_47 = vector.extract %reduce_sum3A_46[15] : f32 from vector<16xf32>
      %broadcast_in_dim3A_48 = vector.broadcast %reduce_sum3A_47 : f32 to vector<16xf32>
      %reduce_sum3A_49 = arith.constant true
      %reduce_sum3A_50 = vector.broadcast %reduce_sum3A_49 : i1 to vector<16xi1>
      %reduce_sum3A_51 = tpu.scan <sum>, %scan3A_33#4 masked %reduce_sum3A_50 : vector<16xf32>, vector<16xi1> -> vector<16xf32>
      %reduce_sum3A_52 = vector.extract %reduce_sum3A_51[15] : f32 from vector<16xf32>
      %broadcast_in_dim3A_53 = vector.broadcast %reduce_sum3A_52 : f32 to vector<16xf32>
      %div3A_54 = arith.divf %broadcast_in_dim3A_48, %broadcast_in_dim3A_53 : vector<16xf32>
      %reduce_sum3A_55 = arith.constant true
      %reduce_sum3A_56 = vector.broadcast %reduce_sum3A_55 : i1 to vector<16xi1>
      %reduce_sum3A_57 = tpu.scan <sum>, %scan3A_33#2 masked %reduce_sum3A_56 : vector<16xf32>, vector<16xi1> -> vector<16xf32>
      %reduce_sum3A_58 = vector.extract %reduce_sum3A_57[15] : f32 from vector<16xf32>
      %broadcast_in_dim3A_59 = vector.broadcast %reduce_sum3A_58 : f32 to vector<16xf32>
      %reduce_sum3A_60 = arith.constant true
      %reduce_sum3A_61 = vector.broadcast %reduce_sum3A_60 : i1 to vector<16xi1>
      %reduce_sum3A_62 = tpu.scan <sum>, %scan3A_33#5 masked %reduce_sum3A_61 : vector<16xf32>, vector<16xi1> -> vector<16xf32>
      %reduce_sum3A_63 = vector.extract %reduce_sum3A_62[15] : f32 from vector<16xf32>
      %broadcast_in_dim3A_64 = vector.broadcast %reduce_sum3A_63 : f32 to vector<16xf32>
      %div3A_65 = arith.divf %broadcast_in_dim3A_59, %broadcast_in_dim3A_64 : vector<16xf32>
      %mul3A = arith.constant 1.000000e-01 : f32
      %mul3A_66 = vector.broadcast %mul3A : f32 to vector<16xf32>
      %mul3A_67 = arith.mulf %mul3A_66, %div3A_54 : vector<16xf32>
      %add3A = arith.addf %div3A, %mul3A_67 : vector<16xf32>
      %mul3A_68 = arith.constant 1.000000e-01 : f32
      %mul3A_69 = vector.broadcast %mul3A_68 : f32 to vector<16xf32>
      %mul3A_70 = arith.mulf %mul3A_69, %div3A_65 : vector<16xf32>
      %add3A_71 = arith.addf %add3A, %mul3A_70 : vector<16xf32>
      %sub3A = arith.constant 1.200000e+00 : f32
      %sub3A_72 = vector.broadcast %sub3A : f32 to vector<16xf32>
      %sub3A_73 = arith.subf %sub3A_72, %add3A_71 : vector<16xf32>
      %swap3A = arith.constant 0 : i32
      %swap3A_74 = arith.index_cast %swap3A : i32 to index
      %swap3A_75 = arith.constant 0 : index
      %swap3A_76 = tpu.vector_load %arg16[%swap3A_74, %swap3A_75] {strides = array<i32>} : memref<2x16xf32, #tpu.memory_space<vmem>>, vector<16xf32>,
      tpu.vector_store %arg16[%swap3A_74, %swap3A_75], %add3A_71 {strides = array<i32>} : memref<2x16xf32, #tpu.memory_space<vmem>>, vector<16xf32>,
      %swap3A_77 = arith.constant 1 : i32
      %swap3A_78 = arith.index_cast %swap3A_77 : i32 to index
      %swap3A_79 = arith.constant 0 : index
      %swap3A_80 = tpu.vector_load %arg16[%swap3A_78, %swap3A_79] {strides = array<i32>} : memref<2x16xf32, #tpu.memory_space<vmem>>, vector<16xf32>,
      tpu.vector_store %arg16[%swap3A_78, %swap3A_79], %sub3A_73 {strides = array<i32>} : memref<2x16xf32, #tpu.memory_space<vmem>>, vector<16xf32>,
      %dma_start3A = arith.constant 0 : i32
      %dma_start3A_81 = arith.constant 0 : i32
      %dma_start3A_82 = arith.constant 0 : i32
      %dma_start3A_83 = tpu.memref_slice %arg16[%dma_start3A, %dma_start3A_82] : memref<2x16xf32, #tpu.memory_space<vmem>> -> memref<1x1xf32, #tpu.memory_space<vmem>>
      %dma_start3A_84 = tpu.memref_squeeze %dma_start3A_83 : memref<1x1xf32, #tpu.memory_space<vmem>> -> memref<1xf32, #tpu.memory_space<vmem>>
      %dma_start3A_85 = arith.constant 0 : i32
      %dma_start3A_86 = tpu.memref_slice %arg8[%dma_start3A_81, %dma_start3A_85] : memref<1x1xf32, #tpu.memory_space<hbm>> -> memref<1x1xf32, #tpu.memory_space<hbm>>
      %dma_start3A_87 = tpu.memref_squeeze %dma_start3A_86 : memref<1x1xf32, #tpu.memory_space<hbm>> -> memref<1xf32, #tpu.memory_space<hbm>>
      %dma_start3A_88 = arith.constant 0 : i32
      %dma_start3A_89 = tpu.memref_slice %arg8[%dma_start3A_81, %dma_start3A_88] : memref<1x1xf32, #tpu.memory_space<hbm>> -> memref<1x1xf32, #tpu.memory_space<hbm>>
      %dma_start3A_90 = tpu.memref_squeeze %dma_start3A_89 : memref<1x1xf32, #tpu.memory_space<hbm>> -> memref<1xf32, #tpu.memory_space<hbm>>
      %dma_start3A_91 = arith.constant 0 : i32
      %dma_start3A_92 = tpu.memref_slice %arg16[%dma_start3A, %dma_start3A_91] : memref<2x16xf32, #tpu.memory_space<vmem>> -> memref<1x1xf32, #tpu.memory_space<vmem>>
      %dma_start3A_93 = tpu.memref_squeeze %dma_start3A_92 : memref<1x1xf32, #tpu.memory_space<vmem>> -> memref<1xf32, #tpu.memory_space<vmem>>
      tpu.enqueue_dma source(%dma_start3A_93 : memref<1xf32, #tpu.memory_space<vmem>>) target(%dma_start3A_90 : memref<1xf32, #tpu.memory_space<hbm>>) target_semaphore(%arg18 : memref<!tpu.dma_semaphore, #tpu.memory_space<semaphore_mem>>)
      %dma_start3A_94 = arith.constant 1 : i32
      %dma_start3A_95 = arith.constant 0 : i32
      %dma_start3A_96 = arith.constant 0 : i32
      %dma_start3A_97 = tpu.memref_slice %arg16[%dma_start3A_94, %dma_start3A_96] : memref<2x16xf32, #tpu.memory_space<vmem>> -> memref<1x1xf32, #tpu.memory_space<vmem>>
      %dma_start3A_98 = tpu.memref_squeeze %dma_start3A_97 : memref<1x1xf32, #tpu.memory_space<vmem>> -> memref<1xf32, #tpu.memory_space<vmem>>
      %dma_start3A_99 = arith.constant 0 : i32
      %dma_start3A_100 = tpu.memref_slice %arg9[%dma_start3A_95, %dma_start3A_99] : memref<1x1xf32, #tpu.memory_space<hbm>> -> memref<1x1xf32, #tpu.memory_space<hbm>>
      %dma_start3A_101 = tpu.memref_squeeze %dma_start3A_100 : memref<1x1xf32, #tpu.memory_space<hbm>> -> memref<1xf32, #tpu.memory_space<hbm>>
      %dma_start3A_102 = arith.constant 0 : i32
      %dma_start3A_103 = tpu.memref_slice %arg9[%dma_start3A_95, %dma_start3A_102] : memref<1x1xf32, #tpu.memory_space<hbm>> -> memref<1x1xf32, #tpu.memory_space<hbm>>
      %dma_start3A_104 = tpu.memref_squeeze %dma_start3A_103 : memref<1x1xf32, #tpu.memory_space<hbm>> -> memref<1xf32, #tpu.memory_space<hbm>>
      %dma_start3A_105 = arith.constant 0 : i32
      %dma_start3A_106 = tpu.memref_slice %arg16[%dma_start3A_94, %dma_start3A_105] : memref<2x16xf32, #tpu.memory_space<vmem>> -> memref<1x1xf32, #tpu.memory_space<vmem>>
      %dma_start3A_107 = tpu.memref_squeeze %dma_start3A_106 : memref<1x1xf32, #tpu.memory_space<vmem>> -> memref<1xf32, #tpu.memory_space<vmem>>
      tpu.enqueue_dma source(%dma_start3A_107 : memref<1xf32, #tpu.memory_space<vmem>>) target(%dma_start3A_104 : memref<1xf32, #tpu.memory_space<hbm>>) target_semaphore(%arg18 : memref<!tpu.dma_semaphore, #tpu.memory_space<semaphore_mem>>)
      %dma_wait3A = arith.constant 0 : i32
      %dma_wait3A_108 = arith.constant 0 : i32
      %dma_wait3A_109 = arith.constant 0 : i32
      %dma_wait3A_110 = tpu.memref_slice %arg16[%dma_wait3A, %dma_wait3A_109] : memref<2x16xf32, #tpu.memory_space<vmem>> -> memref<1x1xf32, #tpu.memory_space<vmem>>
      %dma_wait3A_111 = tpu.memref_squeeze %dma_wait3A_110 : memref<1x1xf32, #tpu.memory_space<vmem>> -> memref<1xf32, #tpu.memory_space<vmem>>
      %dma_wait3A_112 = arith.constant 0 : i32
      %dma_wait3A_113 = tpu.memref_slice %arg8[%dma_wait3A_108, %dma_wait3A_112] : memref<1x1xf32, #tpu.memory_space<hbm>> -> memref<1x1xf32, #tpu.memory_space<hbm>>
      %dma_wait3A_114 = tpu.memref_squeeze %dma_wait3A_113 : memref<1x1xf32, #tpu.memory_space<hbm>> -> memref<1xf32, #tpu.memory_space<hbm>>
      %dma_wait3A_115 = arith.constant 0 : i32
      %dma_wait3A_116 = tpu.memref_slice %arg8[%dma_wait3A_108, %dma_wait3A_115] : memref<1x1xf32, #tpu.memory_space<hbm>> -> memref<1x1xf32, #tpu.memory_space<hbm>>
      %dma_wait3A_117 = tpu.memref_squeeze %dma_wait3A_116 : memref<1x1xf32, #tpu.memory_space<hbm>> -> memref<1xf32, #tpu.memory_space<hbm>>
      %dma_wait3A_118 = arith.constant 0 : i32
      %dma_wait3A_119 = tpu.memref_slice %arg16[%dma_wait3A, %dma_wait3A_118] : memref<2x16xf32, #tpu.memory_space<vmem>> -> memref<1x1xf32, #tpu.memory_space<vmem>>
      %dma_wait3A_120 = tpu.memref_squeeze %dma_wait3A_119 : memref<1x1xf32, #tpu.memory_space<vmem>> -> memref<1xf32, #tpu.memory_space<vmem>>
      tpu.wait_dma2 semaphore(%arg18 : memref<!tpu.dma_semaphore, #tpu.memory_space<semaphore_mem>>) src(%dma_wait3A_120 : memref<1xf32, #tpu.memory_space<vmem>>) dst(%dma_wait3A_117 : memref<1xf32, #tpu.memory_space<hbm>>)
      %dma_wait3A_121 = arith.constant 1 : i32
      %dma_wait3A_122 = arith.constant 0 : i32
      %dma_wait3A_123 = arith.constant 0 : i32
      %dma_wait3A_124 = tpu.memref_slice %arg16[%dma_wait3A_121, %dma_wait3A_123] : memref<2x16xf32, #tpu.memory_space<vmem>> -> memref<1x1xf32, #tpu.memory_space<vmem>>
      %dma_wait3A_125 = tpu.memref_squeeze %dma_wait3A_124 : memref<1x1xf32, #tpu.memory_space<vmem>> -> memref<1xf32, #tpu.memory_space<vmem>>
      %dma_wait3A_126 = arith.constant 0 : i32
      %dma_wait3A_127 = tpu.memref_slice %arg9[%dma_wait3A_122, %dma_wait3A_126] : memref<1x1xf32, #tpu.memory_space<hbm>> -> memref<1x1xf32, #tpu.memory_space<hbm>>
      %dma_wait3A_128 = tpu.memref_squeeze %dma_wait3A_127 : memref<1x1xf32, #tpu.memory_space<hbm>> -> memref<1xf32, #tpu.memory_space<hbm>>
      %dma_wait3A_129 = arith.constant 0 : i32
      %dma_wait3A_130 = tpu.memref_slice %arg9[%dma_wait3A_122, %dma_wait3A_129] : memref<1x1xf32, #tpu.memory_space<hbm>> -> memref<1x1xf32, #tpu.memory_space<hbm>>
      %dma_wait3A_131 = tpu.memref_squeeze %dma_wait3A_130 : memref<1x1xf32, #tpu.memory_space<hbm>> -> memref<1xf32, #tpu.memory_space<hbm>>
      %dma_wait3A_132 = arith.constant 0 : i32
      %dma_wait3A_133 = tpu.memref_slice %arg16[%dma_wait3A_121, %dma_wait3A_132] : memref<2x16xf32, #tpu.memory_space<vmem>> -> memref<1x1xf32, #tpu.memory_space<vmem>>
      %dma_wait3A_134 = tpu.memref_squeeze %dma_wait3A_133 : memref<1x1xf32, #tpu.memory_space<vmem>> -> memref<1xf32, #tpu.memory_space<vmem>>
      tpu.wait_dma2 semaphore(%arg18 : memref<!tpu.dma_semaphore, #tpu.memory_space<semaphore_mem>>) src(%dma_wait3A_134 : memref<1xf32, #tpu.memory_space<vmem>>) dst(%dma_wait3A_131 : memref<1xf32, #tpu.memory_space<hbm>>)
    } else {
    }
    return
  }
}

</mosaic_0001>

<sc_bundles>
// kernel: gake_sc.3.cloned.1.call-start
scs
__scs_entry_jumppad:
0x0: {  	(pc) =	sbr.rel $0x88, $3  }
0x1: {  	(tag) =	ssettag $0x0;
	lr =	simm.s32 $0x1  }
0x2: {  	[smem:$0x3F9B] =	sst lr;
	_ =	strace $0xD0000000  }
0x3: {  	_ = 	snop  }
0x4: {  	_ = 	snop  }
0x5: {  	_ = 	snop  }
0x6: {  	_ = 	snop  }
0x7: {  	_ = 	snop  }
__scs_overlays_trampoline_lowered:
0x8: {  	[smem:$0x3FAA] =	sst s0  }
0x9: {  	[smem:$0x3FAB] =	sst s1  }
0xa: {  	[smem:$0x3FAC] =	sst s2  }
0xb: {  	[smem:$0x3FAD] =	sst s3  }
0xc: {  	[smem:$0x3FAE] =	sst s4  }
0xd: {  	[smem:$0x3FAF] =	sst s5  }
0xe: {  	[smem:$0x3FB0] =	sst s6  }
0xf: {  	[smem:$0x3FB1] =	sst s7  }
0x10: {  	[smem:$0x3FB2] =	sst s8  }
0x11: {  	[smem:$0x3FB3] =	sst s9;
	s0 =	simm.s32 @!p0 $0x0  }
0x12: {  	s1 =	sld [smem:$0x3F99];
	s0 =	simm.s32 @p0 $0x1  }
0x13: {  	[smem:$0x3FB4] =	sst s0;
	s0 =	simm.s32 @!p1 $0x0  }
0x14: {  	s2 =	sld [smem:$0x3F98];
	s0 =	simm.s32 @p1 $0x1  }
0x15: {  	[smem:$0x3FB5] =	sst s0;
	s0 =	simm.s32 @!p2 $0x0  }
0x16: {  	s3 =	sld [smem:$0x3FDB];
	s0 =	simm.s32 @p2 $0x1  }
0x17: {  	s4 =	simm.s32 $0x1BF5;
	[smem:$0x3FB7] =	sst s0  }
0x18: {  	s0 =	sld [smem:$0x3F9A];
	_ =	swait.ge [sflag:s4], $0x0  }
0x19: {  	s7 =	sld [smem:$0x3F9B]  }
0x1a: {  	s8 =	sadd.s32 $0xFFFFE003, lr  }
0x1b: {  	s9 =	sadd.s32 $0xFFFFFEF7, lr;
	s5 =	simm.s32 $0xFFFFFFFF;
	p2 =	slt.u32 s8, $0xFFFFF086  }
0x1c: {  	p1 =	slt.u32 s9, $0xF7A;
	s5 =	simm.s32 @!p2 $0x0  }
0x1d: {  	s5 =	simm.s32 @p1 $0x1;
	p0 =	seq.s32 s7, s2  }
0x1e: {  	s7 =	smul.u32 @!p0 $0xF7A, s2;
	p2 =	seq.s32 @!p0 s5, $0x0  }
0x1f: {  	s9 =	smul.u32 $0xF7A, s1;
	s8 =	simm.s32 @!p0 $0x1BF5;
	p2 =	por !p2, p0  }
0x20: {  	[sflag:s8] =	ssyncset.s32 @!p0 $0xFFFFF086;
	s6 =	sadd.s32 @!p0 s3, s7;
	s7 =	simm.s32 @!p0 $0x108  }
0x21: {  	s3 =	sadd.s32 s3, s9;
	s6 =	sadd.s32 @!p0 $0x88, s6;
	s7 =	simm.s32 @p2 $0x1082  }
0x22: {  	[simem:s7], [sflag:s8] =	dma.local @!p0 [hbm:s6], $0xF7A  }
0x23: {  	s9 =	sor.u32 $0xD0000000, s2;
	s6 =	simm.s32 $0x108;
	_ =	swait.ge @!p0 [sflag:s8], $0x0  }
0x24: {  	s3 =	sadd.s32 $0x88, s3;
	s6 =	simm.s32 @!p1 $0x1082;
	[sflag:s4] =	ssyncset.s32 $0xFFFFF086  }
0x25: {  	[simem:s6], [sflag:s4] =	dma.local [hbm:s3], $0xF7A  }
0x26: {  	[smem:$0x3F9B] =	sst s1;
	(tag) =	ssettag s2;
	_ =	strace s9  }
0x27: {  	s1 =	sld [smem:$0x3FAB]  }
0x28: {  	s2 =	sld [smem:$0x3FAC]  }
0x29: {  	s4 =	sld [smem:$0x3FAE]  }
0x2a: {  	p0 =	seq.s32 s5, $0x0;
	s5 =	sld [smem:$0x3FAF]  }
0x2b: {  	s6 =	sld [smem:$0x3FB0]  }
0x2c: {  	s7 =	sld [smem:$0x3FB1]  }
0x2d: {  	s3 =	simm.s32 $0x108;
	s8 =	sld [smem:$0x3FB2]  }
0x2e: {  	s3 =	simm.s32 @!p0 $0x1082;
	s9 =	sld [smem:$0x3FB3]  }
0x2f: {  	lr =	sadd.s32 s0, s3;
	s0 =	sld [smem:$0x3FAA]  }
0x30: {  	s3 =	sld [smem:$0x3FAD]  }
0x31: {  	[smem:$0x3FB6] =	sst s10  }
0x32: {  	s10 =	sld [smem:$0x3FB4];
	_ =	sdelay $0x3  }
0x33: {  	p0 =	seq.s32 s10, $0x1;
	s10 =	sld [smem:$0x3FB6];
	_ =	sdelay $0x3  }
0x34: {  	[smem:$0x3FB6] =	sst s10  }
0x35: {  	s10 =	sld [smem:$0x3FB5];
	_ =	sdelay $0x3  }
0x36: {  	p1 =	seq.s32 s10, $0x1;
	s10 =	sld [smem:$0x3FB6];
	_ =	sdelay $0x3  }
0x37: {  	[smem:$0x3FB6] =	sst s10  }
0x38: {  	s10 =	sld [smem:$0x3FB7]  }
0x39: {  	_ = 	snop;
	(pc) =	sbr.ind lr, $3  }
0x3a: {  	_ = 	snop  }
0x3b: {  	_ = 	snop  }
0x3c: {  	p2 =	seq.s32 s10, $0x1;
	s10 =	sld [smem:$0x3FB6]  }
0x3d: {  	_ =	shalt  }
0x3e: {  	_ =	shalt  }
0x3f: {  	_ =	shalt  }
0x40: {  	_ =	shalt  }
0x41: {  	_ =	shalt  }
0x42: {  	_ =	shalt  }
0x43: {  	_ =	shalt  }
0x44: {  	_ =	shalt  }
0x45: {  	_ =	shalt  }
0x46: {  	_ =	shalt  }
0x47: {  	_ =	shalt  }
0x48: {  	_ =	shalt  }
0x49: {  	_ =	shalt  }
0x4a: {  	_ =	shalt  }
0x4b: {  	_ =	shalt  }
0x4c: {  	_ =	shalt  }
0x4d: {  	_ =	shalt  }
0x4e: {  	_ =	shalt  }
0x4f: {  	_ =	shalt  }
0x50: {  	_ =	shalt  }
0x51: {  	_ =	shalt  }
0x52: {  	_ =	shalt  }
0x53: {  	_ =	shalt  }
0x54: {  	_ =	shalt  }
0x55: {  	_ =	shalt  }
0x56: {  	_ =	shalt  }
0x57: {  	_ =	shalt  }
0x58: {  	_ =	shalt  }
0x59: {  	_ =	shalt  }
0x5a: {  	_ =	shalt  }
0x5b: {  	_ =	shalt  }
0x5c: {  	_ =	shalt  }
0x5d: {  	_ =	shalt  }
0x5e: {  	_ =	shalt  }
0x5f: {  	_ =	shalt  }
0x60: {  	_ =	shalt  }
0x61: {  	_ =	shalt  }
0x62: {  	_ =	shalt  }
0x63: {  	_ =	shalt  }
0x64: {  	_ =	shalt  }
0x65: {  	_ =	shalt  }
0x66: {  	_ =	shalt  }
0x67: {  	_ =	shalt  }
0x68: {  	_ =	shalt  }
0x69: {  	_ =	shalt  }
0x6a: {  	_ =	shalt  }
0x6b: {  	_ =	shalt  }
0x6c: {  	_ =	shalt  }
0x6d: {  	_ =	shalt  }
0x6e: {  	_ =	shalt  }
0x6f: {  	_ =	shalt  }
0x70: {  	_ =	shalt  }
0x71: {  	_ =	shalt  }
0x72: {  	_ =	shalt  }
0x73: {  	_ =	shalt  }
0x74: {  	_ =	shalt  }
0x75: {  	_ =	shalt  }
0x76: {  	_ =	shalt  }
0x77: {  	_ =	shalt  }
0x78: {  	_ =	shalt  }
0x79: {  	_ =	shalt  }
0x7a: {  	_ =	shalt  }
0x7b: {  	_ =	shalt  }
0x7c: {  	_ =	shalt  }
0x7d: {  	_ =	shalt  }
0x7e: {  	_ =	shalt  }
0x7f: {  	_ =	shalt  }
0x80: {  	_ =	shalt  }
0x81: {  	_ =	shalt  }
0x82: {  	_ =	shalt  }
0x83: {  	_ =	shalt  }
0x84: {  	_ =	shalt  }
0x85: {  	_ =	shalt  }
0x86: {  	_ =	shalt  }
0x87: {  	_ =	shalt  }
.Lfunc_end0:
.L_simem_size_0:
called_computation_lowered:
.L_overlay_start_0:
0x88: {  	s0 =	sld [smem:$0x3FD9]  }
0x89: {  	s1 =	sld [smem:$0x3FFE];
	_ =	sdelay $0x3  }
0x8a: {  	s0 =	sadd.s32 s1, s0  }
0x8b: {  	[smem:$0x3FC2] =	sst s0  }
0x8c: {  	_ = 	snop  }
0x8d: {  	s0 =	sld [smem:$0x3FC9]  }
0x8e: {  	s14 =	sld [smem:$0x3FC8]  }
0x8f: {  	s2 =	sld [smem:$0x3FC7]  }
0x90: {  	s3 =	sld [smem:$0x3FD0]  }
0x91: {  	s4 =	sld [smem:$0x3FC6]  }
0x92: {  	s5 =	sld [smem:$0x3FC5]  }
0x93: {  	s7 =	simm.s32 $0xA;
	s8 =	simm.s32 $0x10;
	s6 =	sld [smem:$0x3FC4]  }
0x94: {  	[smem:s8], [sflag:s7] =	dma.local [hbm:s3], $0x1  }
0x95: {  	_ =	swait.eq [sflag:s7], $0x1  }
0x96: {  	[sflag:s7] =	ssyncset.done $0x0  }
0x97: {  	s15 =	sld [smem:$0x10];
	[sflag:s7] =	ssyncadd.s32 $0xFFFFFFFF  }
0x98: {  	s16 =	sld [smem:$0x11];
	(tm) =	ssettm $0x1  }
0x99: {  	s17 =	sld [smem:$0x3FFB];
	_ =	sdelay $0x3  }
0x9a: {  	_ =	strace s17  }
0x9b: {  	s8 =	sld [smem:$0x3FFC];
	_ =	sdelay $0x3  }
0x9c: {  	_ =	strace s8  }
0x9d: {  	s8 =	sld [smem:$0x3FFD];
	_ =	sdelay $0x3  }
0x9e: {  	_ =	strace s8  }
0x9f: {  	_ =	strace $0x8FFFFFFF  }
0xa0: {  	s18 =	sld [smem:$0x3FDB];
	_ =	sdelay $0x1  }
0xa1: {  	s9 =	simm.s32 $_scs_section_size  }
0xa2: {  	s10 =	simm.s32 $_size__tile_overlayer_lowered;
	s11 =	simm.s32 $_tile_overlayer_lowered  }
0xa3: {  	s21 =	simm.s32 $0x1BFF;
	s20 =	sshll.u32 s11, $0x1;
	s8 =	sadd.s32 s9, s18  }
0xa4: {  	s12 =	simm.s32 $0x0;
	s19 =	sshll.u32 s10, $0x1;
	s10 =	sadd.s32 s20, s8  }
0xa5: {  	[timem:s12], [sflag:s21] =	dma.local [hbm:s10], s19  }
0xa6: {  	_ =	swait.ge [sflag:s21], s19  }
0xa7: {  	s9 =	ssub.s32 $0x0, s19;
	[sflag:s21] =	ssyncset.done $0x0  }
0xa8: {  	[sflag:s21] =	ssyncadd.s32 s9;
	_ =	sdelay $0x1  }
0xa9: {  	s22 =	simm.s32 $0x1B8B  }
0xaa: {  	_ =	swait.ge [sflag:s22], $0x1  }
0xab: {  	[sflag:s22] =	ssyncset.done $0x0  }
0xac: {  	s23 =	simm.s32 $0x1B8E;
	[sflag:s22] =	ssyncadd.s32 $0xFFFFFFFF  }
0xad: {  	s24 =	simm.s32 $execute0_lowered;
	[smem:$0x3FD2] =	sst s23  }
0xae: {  	s9 =	sshll.u32 s24, $0x1;
	_ =	strace $0x80000046;
	[dreg:$0x1] =	wrdreg $0xFFFFFFFF  }
0xaf: {  	s25 =	simm.s32 $_size_execute0_lowered;
	s8 =	sadd.s32 s8, s9;
	[dreg:$0x0] =	wrdreg $0x0  }
0xb0: {  	s9 =	sshll.u32 s25, $0x1;
	[dreg:$0x2] =	wrdreg s8  }
0xb1: {  	[dreg:$0x3] =	wrdreg s9  }
0xb2: {  	[dreg:$0x4] =	wrdreg $0xC0  }
0xb3: {  	_ =	task [dreg:s12], $0x5FFFF  }
0xb4: {  	[dreg:$0x1] =	wrdreg $0xFFFFFFFF  }
0xb5: {  	[dreg:$0x0] =	wrdreg $0x60  }
0xb6: {  	[dreg:$0x2] =	wrdreg s0  }
0xb7: {  	[dreg:$0x3] =	wrdreg s14  }
0xb8: {  	[dreg:$0x4] =	wrdreg s2  }
0xb9: {  	[dreg:$0x5] =	wrdreg s4  }
0xba: {  	[dreg:$0x6] =	wrdreg s5  }
0xbb: {  	[dreg:$0x7] =	wrdreg s6  }
0xbc: {  	[dreg:$0x8] =	wrdreg s15  }
0xbd: {  	[dreg:$0x9] =	wrdreg s16  }
0xbe: {  	[dreg:$0xa] =	wrdreg $0x1F000  }
0xbf: {  	[dreg:$0xb] =	wrdreg $0x9  }
0xc0: {  	_ =	task.clear_ibuf [dreg:s12], $0xCFFFF;
	_ =	strace $0x90000046  }
0xc1: {  	s26 =	simm.s32 $0x9;
	_ =	strace $0x80000048  }
0xc2: {  	_ =	swait.ge [sflag:s26], $0x1  }
0xc3: {  	[sflag:s26] =	ssyncadd.s32 $0xFFFFFFFF  }
0xc4: {  	_ =	strace $0x90000048  }
0xc5: {  	_ =	sfence  }
0xc6: {  	s28 =	sld [smem:$0x0];
	_ =	sdelay $0x1  }
0xc7: {  	s29 =	srdreg.scid  }
0xc8: {  	s30 =	sshll.u32 s29, $0xD;
	s31 =	sshrl.u32 s29, $0x2  }
0xc9: {  	s1 =	sand.u32 $0x1, s29;
	s2 =	sand.u32 $0x4000, s30;
	s0 =	sadd.s32 s31, s28  }
0xca: {  	s1 =	sor.u32 s2, s1;
	s0 =	sshll.u32 s0, $0x11  }
0xcb: {  	s0 =	sor.u32 s0, s1  }
0xcc: {  	s0 =	sadd.s32 $0x8F2B, s0  }
0xcd: {  	[sflag:s0] =	ssyncadd.remote.s32 $0x1  }
0xce: {  	_ =	sfence.sel $0xFFFF  }
0xcf: {  	[dreg:$0x0] =	wrdreg $0xFFFFFFFF;
	(pc) =	sbr.abs _section_cstart, $3  }
0xd0: {  	[dreg:$0x1] =	wrdreg $0xFFFFFFFF  }
0xd1: {  	_ =	task.clear_ibuf [dreg:s12], $0x2FFFF;
	_ =	strace $0x9FFFFFFF  }
0xd2: {  	(tm) =	ssettm $0x7FFFFFFF  }
0xd3: {  	_ =	shalt  }
tec
execute0_lowered:
.L_overlay_start_1:
0x0: {  	(tag) =	ssettag $0x1  }
0x1: {  	s10 =	rddreg [dreg:$0x0]  }
0x2: {  	s12 =	rddreg [dreg:$0x1]  }
0x3: {  	s9 =	rddreg [dreg:$0x2]  }
0x4: {  	s8 =	rddreg [dreg:$0x3]  }
0x5: {  	s5 =	rddreg [dreg:$0x4];
	s1 =	stileid.u32  }
0x6: {  	s7 =	rddreg [dreg:$0x5];
	p0 =	sgt.u32 s1, $0x4  }
.Ltmp0:
0x7: {  	s3 =	rddreg [dreg:$0x6];
	(pc) =	sbr.rel @p0 .LBB2_6-.Ltmp0, $4  }
0x8: {  	s2 =	rddreg [dreg:$0x7]  }
0x9: {  	s6 =	rddreg [dreg:$0x8];
	s11 =	simm.s32 $0x0  }
0xa: {  	[smem:$0x7FF] =	sst s11;
	s4 =	sshll.u32 s1, $0x7  }
0xb: {  	s0 =	rddreg [dreg:$0x9];
	_ =	strace $0x80000047;
	s4 =	sadd.s32 s4, s6  }
0xc: {  	s2 =	smul.u32 $0x5, s1;
	_ =	sdelay $0x1  }
0xd: {  	s28 =	simm.s32 $0x2;
	s2 =	sadd.s32 s10, s2  }
0xe: {  	[tilespmem:s11], [sflag:$0x2] =	stream.linear.gather [hbm4b:s2+s11], $0x28, $0x38;
	[tilespmem:$0x1F80] =	vst v63  }
0xf: {  	_ =	swait.ge [sflag:s28], $0x28  }
0x10: {  	s29 =	simm.s32 $0x28;
	[sflag:s28] =	ssyncset.done $0x0  }
0x11: {  	s3 =	simm.s32 $0x80;
	s30 =	simm.s32 $0x1;
	[sflag:s28] =	ssyncadd.s32 $0xFFFFFFD8  }
0x12: {  	[tilespmem:s3], [sflag:$0x1] =	stream.indirect.gather [hbm4b:s5+s29], $0x80, s11, s29, $0xb8;
	[tilespmem:$0x1F80] =	vst v63  }
0x13: {  	_ =	swait.ge [sflag:s30], $0x1400  }
0x14: {  	[sflag:s30] =	ssyncset.done $0x0  }
0x15: {  	s31 =	simm.s32 $0x0;
	[sflag:s30] =	ssyncadd.s32 $0xFFFFEC00  }
0x16: {  	v0 =	vld [tilespmem:s31+$0xF0]  }
0x17: {  	v1 =	vld [tilespmem:s31+$0x80]  }
0x18: {  	v2 =	vld [tilespmem:s31+$0x90]  }
0x19: {  	v5 =	vld [tilespmem:s31+$0xA0]  }
0x1a: {  	v6 =	vld [tilespmem:s31+$0xB0]  }
0x1b: {  	v3 =	vimm.f32 $0.0e+00;
	v4 =	vimm.f32 $0.0e+00;
	v7 =	vld [tilespmem:s31+$0xC0]  }
0x1c: {  	v10 =	vimm.f32 $0.0e+00;
	v8 =	vimm.f32 $0.0e+00;
	v11 =	vld [tilespmem:s31+$0xD0];
	v0 =	vadd.f32 v0, v3  }
0x1d: {  	v9 =	vimm.f32 $0.0e+00;
	s2 =	simm.s32 $0x80;
	s3 =	simm.s32 $0x400;
	v12 =	vld [tilespmem:s31+$0xE0];
	v1 =	vadd.f32 v1, v3;
	v2 =	vadd.f32 v2, v3  }
.LBB2_2:
0x1e: {  	p0 =	seq.s32 s3, $0x4E00;
	v13 =	vld [tilespmem:s2+$0xF0];
	v3 =	vadd.f32 v5, v3  }
0x1f: {  	v14 =	vld [tilespmem:s2+$0x80];
	v4 =	vadd.f32 v6, v4  }
0x20: {  	v15 =	vld [tilespmem:s2+$0x90];
	v10 =	vadd.f32 v7, v10  }
.Ltmp1:
0x21: {  	v5 =	vld [tilespmem:s2+$0xA0];
	v8 =	vadd.f32 v11, v8;
	(pc) =	sbr.rel @!p0 .LBB2_2-.Ltmp1, $4  }
0x22: {  	v6 =	vld [tilespmem:s2+$0xB0];
	v9 =	vadd.f32 v12, v9  }
0x23: {  	v7 =	vld [tilespmem:s2+$0xC0];
	v0 =	vadd.f32 v13, v0  }
0x24: {  	v1 =	vadd.f32 v14, v1;
	v11 =	vld [tilespmem:s2+$0xD0]  }
0x25: {  	v2 =	vadd.f32 v15, v2;
	v12 =	vld [tilespmem:s2+$0xE0];
	s2 =	sshra.s32 s3, $0x2;
	s3 =	sadd.s32 $0x200, s3  }
0x26: {  	v13 =	vld [tilespmem:s2+$0xF0]  }
0x27: {  	v14 =	vld [tilespmem:s2+$0x80]  }
0x28: {  	v15 =	vld [tilespmem:s2+$0x90]  }
0x29: {  	v16 =	vld [tilespmem:s2+$0xA0]  }
0x2a: {  	v17 =	vld [tilespmem:s2+$0xB0]  }
0x2b: {  	v18 =	vld [tilespmem:s2+$0xC0]  }
0x2c: {  	v3 =	vadd.f32 v5, v3;
	v19 =	vld [tilespmem:s2+$0xD0]  }
0x2d: {  	v4 =	vadd.f32 v6, v4;
	v5 =	vadd.f32 v7, v10;
	v7 =	vld [tilespmem:s2+$0xE0]  }
.Ltmp2:
0x2e: {  	v6 =	vadd.f32 v11, v8;
	v8 =	vadd.f32 v12, v9;
	(pc) =	sbr.rel .LBB2_4-.Ltmp2, $4  }
0x2f: {  	v0 =	vadd.f32 v13, v0;
	v1 =	vadd.f32 v14, v1  }
0x30: {  	v2 =	vadd.f32 v15, v2;
	v3 =	vadd.f32 v16, v3  }
0x31: {  	v4 =	vadd.f32 v17, v4;
	v5 =	vadd.f32 v18, v5  }
0x32: {  	v6 =	vadd.f32 v19, v6;
	v7 =	vadd.f32 v7, v8  }
.LBB2_6:
0x33: {  	s10 =	sadd.s32 $0xFFFFFFFB, s1  }
0x34: {  	p0 =	sgt.u32 s10, $0x4  }
.Ltmp3:
0x35: {  	_ = 	snop;
	(pc) =	sbr.rel @p0 .LBB2_10-.Ltmp3, $2  }
0x36: {  	_ =	sdelay $0x2  }
0x37: {  	s11 =	sadd.s32 $0xFFFFFFF6, s1;
	s10 =	smul.u32 $0x28, s1  }
0x38: {  	_ = 	snop  }
0x39: {  	s13 =	sadd.s32 $0xFFFFFF38, s10  }
0x3a: {  	s13 =	sshrl.u32 s13, $0x3  }
0x3b: {  	s26 =	simm.s32 $0x0;
	s28 =	simm.s32 $0x2;
	s12 =	sadd.s32 s12, s13  }
0x3c: {  	[tilespmem:s26], [sflag:$0x2] =	stream.linear.gather [hbm4b:s12+s26], $0x28, $0x38;
	[tilespmem:$0x1F80] =	vst v63  }
0x3d: {  	_ =	swait.ge [sflag:s28], $0x28  }
0x3e: {  	s29 =	simm.s32 $0x28;
	[sflag:s28] =	ssyncset.done $0x0  }
0x3f: {  	s14 =	simm.s32 $0x80;
	s30 =	simm.s32 $0x1;
	[sflag:s28] =	ssyncadd.s32 $0xFFFFFFD8  }
0x40: {  	[tilespmem:s14], [sflag:$0x1] =	stream.indirect.gather [hbm4b:s5+s29], $0x80, s26, s29, $0xb8;
	[tilespmem:$0x1F80] =	vst v63  }
0x41: {  	_ =	swait.ge [sflag:s30], $0x1400  }
0x42: {  	[sflag:s30] =	ssyncset.done $0x0  }
0x43: {  	s31 =	simm.s32 $0x0;
	[sflag:s30] =	ssyncadd.s32 $0xFFFFEC00  }
0x44: {  	v0 =	vld [tilespmem:s31+$0xF0]  }
0x45: {  	v2 =	vld [tilespmem:s31+$0x80]  }
0x46: {  	v3 =	vld [tilespmem:s31+$0x90]  }
0x47: {  	v11 =	vld [tilespmem:s31+$0xA0]  }
0x48: {  	v10 =	vld [tilespmem:s31+$0xB0]  }
0x49: {  	v1 =	vimm.f32 $0.0e+00;
	v6 =	vimm.f32 $0.0e+00;
	v7 =	vld [tilespmem:s31+$0xC0]  }
0x4a: {  	v8 =	vimm.f32 $0.0e+00;
	v4 =	vimm.f32 $0.0e+00;
	v9 =	vld [tilespmem:s31+$0xD0];
	v0 =	vadd.f32 v0, v1  }
0x4b: {  	s13 =	simm.s32 $0x400;
	s12 =	simm.s32 $0x80;
	v12 =	vld [tilespmem:s31+$0xE0];
	v5 =	vadd.f32 v2, v1;
	v3 =	vadd.f32 v3, v1;
	v2 =	vimm.f32 $0.0e+00  }
.LBB2_8:
0x4c: {  	p0 =	sne.s32 s13, $0x4E00;
	v13 =	vld [tilespmem:s12+$0xF0];
	v1 =	vadd.f32 v11, v1  }
0x4d: {  	v14 =	vld [tilespmem:s12+$0x80];
	v6 =	vadd.f32 v10, v6  }
0x4e: {  	v15 =	vld [tilespmem:s12+$0x90];
	v8 =	vadd.f32 v7, v8  }
.Ltmp4:
0x4f: {  	v11 =	vld [tilespmem:s12+$0xA0];
	v4 =	vadd.f32 v9, v4;
	(pc) =	sbr.rel @p0 .LBB2_8-.Ltmp4, $4  }
0x50: {  	v10 =	vld [tilespmem:s12+$0xB0];
	v2 =	vadd.f32 v12, v2  }
0x51: {  	v7 =	vld [tilespmem:s12+$0xC0];
	v0 =	vadd.f32 v13, v0  }
0x52: {  	v5 =	vadd.f32 v14, v5;
	v9 =	vld [tilespmem:s12+$0xD0]  }
0x53: {  	v3 =	vadd.f32 v15, v3;
	v12 =	vld [tilespmem:s12+$0xE0];
	s12 =	sshra.s32 s13, $0x2;
	s13 =	sadd.s32 $0x200, s13  }
0x54: {  	v14 =	vld [tilespmem:s12+$0x80]  }
0x55: {  	v15 =	vld [tilespmem:s12+$0x90]  }
0x56: {  	v16 =	vld [tilespmem:s12+$0xA0]  }
0x57: {  	v17 =	vld [tilespmem:s12+$0xB0]  }
0x58: {  	v18 =	vld [tilespmem:s12+$0xC0]  }
0x59: {  	v1 =	vadd.f32 v11, v1;
	v59 =	vld [tilespmem:s12+$0xD0];
	v5 =	vadd.f32 v14, v5  }
0x5a: {  	v13 =	vld [tilespmem:s12+$0xF0];
	v6 =	vadd.f32 v10, v6;
	v3 =	vadd.f32 v15, v3  }
0x5b: {  	v60 =	vld [tilespmem:s12+$0xE0];
	v7 =	vadd.f32 v7, v8;
	v1 =	vadd.f32 v16, v1;
	[tilespmem:$0x1580] =	vst v5  }
0x5c: {  	v4 =	vadd.f32 v9, v4;
	v61 =	vadd.f32 v17, v6;
	[tilespmem:$0x1590] =	vst v3  }
0x5d: {  	v62 =	vadd.f32 v18, v7;
	[tilespmem:$0x15A0] =	vst v1  }
0x5e: {  	v2 =	vadd.f32 v12, v2;
	v63 =	vadd.f32 v59, v4;
	[tilespmem:$0x15B0] =	vst v61  }
0x5f: {  	v0 =	vadd.f32 v13, v0;
	[tilespmem:$0x15C0] =	vst v62  }
0x60: {  	v2 =	vadd.f32 v60, v2;
	[tilespmem:$0x15D0] =	vst v63  }
0x61: {  	[tilespmem:$0x15F0] =	vst v0  }
0x62: {  	s30 =	simm.s32 $0x1580;
	s31 =	simm.s32 $0x2;
	[tilespmem:$0x15E0] =	vst v2  }
0x63: {  	[spmem:s4] =	stream.linear.scatter [tilespmem:s30], [sflag:$0x2], $0x80, $0x38;
	[tilespmem:$0x1F80] =	vst v63  }
0x64: {  	_ =	swait.ge [sflag:s31], $0x80  }
0x65: {  	[sflag:s31] =	ssyncset.done $0x0  }
0x66: {  	[sflag:s31] =	ssyncadd.s32 $0xFFFFFF80  }
.LBB2_10:
0x67: {  	p0 =	sgt.u32 s11, $0x4  }
.Ltmp5:
0x68: {  	_ = 	snop;
	(pc) =	sbr.rel @p0 .LBB2_14-.Ltmp5, $1  }
0x69: {  	_ =	sdelay $0x3  }
0x6a: {  	s2 =	sadd.s32 $0xFFFFFE70, s10  }
0x6b: {  	s2 =	sshrl.u32 s2, $0x3  }
0x6c: {  	s3 =	simm.s32 $0x0;
	s28 =	simm.s32 $0x2;
	s2 =	sadd.s32 s9, s2  }
0x6d: {  	[tilespmem:s3], [sflag:$0x2] =	stream.linear.gather [hbm4b:s2+s3], $0x28, $0x38;
	[tilespmem:$0x1F80] =	vst v63  }
0x6e: {  	_ =	swait.ge [sflag:s28], $0x28  }
0x6f: {  	s29 =	simm.s32 $0x28;
	[sflag:s28] =	ssyncset.done $0x0  }
0x70: {  	s5 =	simm.s32 $0x80;
	s30 =	simm.s32 $0x1;
	[sflag:s28] =	ssyncadd.s32 $0xFFFFFFD8  }
0x71: {  	[tilespmem:s5], [sflag:$0x1] =	stream.indirect.gather [hbm4b:s7+s29], $0x80, s3, s29, $0xb8;
	[tilespmem:$0x1F80] =	vst v63  }
0x72: {  	_ =	swait.ge [sflag:s30], $0x1400  }
0x73: {  	[sflag:s30] =	ssyncset.done $0x0  }
0x74: {  	s31 =	simm.s32 $0x0;
	[sflag:s30] =	ssyncadd.s32 $0xFFFFEC00  }
0x75: {  	v0 =	vld [tilespmem:s31+$0xF0]  }
0x76: {  	v1 =	vld [tilespmem:s31+$0x80]  }
0x77: {  	v2 =	vld [tilespmem:s31+$0x90]  }
0x78: {  	v5 =	vld [tilespmem:s31+$0xA0]  }
0x79: {  	v6 =	vld [tilespmem:s31+$0xB0]  }
0x7a: {  	v3 =	vimm.f32 $0.0e+00;
	v4 =	vimm.f32 $0.0e+00;
	v7 =	vld [tilespmem:s31+$0xC0]  }
0x7b: {  	v10 =	vimm.f32 $0.0e+00;
	v8 =	vimm.f32 $0.0e+00;
	v11 =	vld [tilespmem:s31+$0xD0];
	v0 =	vadd.f32 v0, v3  }
0x7c: {  	v9 =	vimm.f32 $0.0e+00;
	s2 =	simm.s32 $0x80;
	s3 =	simm.s32 $0x400;
	v12 =	vld [tilespmem:s31+$0xE0];
	v1 =	vadd.f32 v1, v3;
	v2 =	vadd.f32 v2, v3  }
.LBB2_12:
0x7d: {  	p0 =	seq.s32 s3, $0x4E00;
	v13 =	vld [tilespmem:s2+$0xF0];
	v3 =	vadd.f32 v5, v3  }
0x7e: {  	v14 =	vld [tilespmem:s2+$0x80];
	v4 =	vadd.f32 v6, v4  }
0x7f: {  	v15 =	vld [tilespmem:s2+$0x90];
	v10 =	vadd.f32 v7, v10  }
.Ltmp6:
0x80: {  	v5 =	vld [tilespmem:s2+$0xA0];
	v8 =	vadd.f32 v11, v8;
	(pc) =	sbr.rel @!p0 .LBB2_12-.Ltmp6, $4  }
0x81: {  	v6 =	vld [tilespmem:s2+$0xB0];
	v9 =	vadd.f32 v12, v9  }
0x82: {  	v7 =	vld [tilespmem:s2+$0xC0];
	v0 =	vadd.f32 v13, v0  }
0x83: {  	v1 =	vadd.f32 v14, v1;
	v11 =	vld [tilespmem:s2+$0xD0]  }
0x84: {  	v2 =	vadd.f32 v15, v2;
	v12 =	vld [tilespmem:s2+$0xE0];
	s2 =	sshra.s32 s3, $0x2;
	s3 =	sadd.s32 $0x200, s3  }
0x85: {  	v13 =	vld [tilespmem:s2+$0xF0]  }
0x86: {  	v14 =	vld [tilespmem:s2+$0x80]  }
0x87: {  	v15 =	vld [tilespmem:s2+$0x90]  }
0x88: {  	v16 =	vld [tilespmem:s2+$0xA0]  }
0x89: {  	v17 =	vld [tilespmem:s2+$0xB0]  }
0x8a: {  	v18 =	vld [tilespmem:s2+$0xC0]  }
0x8b: {  	v3 =	vadd.f32 v5, v3;
	v19 =	vld [tilespmem:s2+$0xD0]  }
0x8c: {  	v4 =	vadd.f32 v6, v4;
	v5 =	vadd.f32 v7, v10;
	v7 =	vld [tilespmem:s2+$0xE0]  }
0x8d: {  	v6 =	vadd.f32 v11, v8;
	v8 =	vadd.f32 v12, v9  }
0x8e: {  	v0 =	vadd.f32 v13, v0;
	v1 =	vadd.f32 v14, v1  }
0x8f: {  	v2 =	vadd.f32 v15, v2;
	v3 =	vadd.f32 v16, v3  }
0x90: {  	v4 =	vadd.f32 v17, v4;
	v5 =	vadd.f32 v18, v5  }
0x91: {  	v6 =	vadd.f32 v19, v6;
	v7 =	vadd.f32 v7, v8  }
.LBB2_4:
0x92: {  	[tilespmem:$0x1580] =	vst v1  }
0x93: {  	[tilespmem:$0x1590] =	vst v2  }
0x94: {  	[tilespmem:$0x15A0] =	vst v3  }
0x95: {  	[tilespmem:$0x15B0] =	vst v4  }
0x96: {  	[tilespmem:$0x15C0] =	vst v5  }
0x97: {  	[tilespmem:$0x15F0] =	vst v0  }
0x98: {  	[tilespmem:$0x15D0] =	vst v6  }
0x99: {  	s2 =	simm.s32 $0x1580;
	s31 =	simm.s32 $0x2;
	[tilespmem:$0x15E0] =	vst v7  }
0x9a: {  	[spmem:s4] =	stream.linear.scatter [tilespmem:s2], [sflag:$0x2], $0x80, $0x38;
	[tilespmem:$0x1F80] =	vst v63  }
0x9b: {  	_ =	swait.ge [sflag:s31], $0x80  }
0x9c: {  	[sflag:s31] =	ssyncset.done $0x0  }
0x9d: {  	[sflag:s31] =	ssyncadd.s32 $0xFFFFFF80  }
.LBB2_5:
0x9e: {  	[bflag:$0x0] =	sbarrier.arrive $0xFFFF  }
.LBB2_18:
0x9f: {  	_ =	sfence.sel $0x180000  }
0xa0: {  	[bflag:$0x0] =	sbarrier.arrive $0xFFFF  }
0xa1: {  	p0 =	sne.s32 s1, $0x0;
	_ =	strace $0x90000047  }
0xa2: {  	s0 =	sadd.s32 @!p0 $0x100000, s0;
	[bflag:$0x2] =	sbarrier.arrive $0xFFFF  }
0xa3: {  	[sflag:s0] =	ssyncadd.tile.s32 @!p0 $0x1;
	_ =	shalt  }
.LBB2_14:
0xa4: {  	p0 =	sne.s32 s1, $0xF  }
.Ltmp7:
0xa5: {  	_ = 	snop;
	(pc) =	sbr.rel @p0 .LBB2_5-.Ltmp7, $1  }
0xa6: {  	_ =	sdelay $0x3  }
0xa7: {  	s4 =	simm.s32 $0x0;
	s7 =	simm.s32 $0x1480;
	s28 =	simm.s32 $0x2  }
0xa8: {  	[tilespmem:s7], [sflag:$0x2] =	stream.linear.gather [hbm4b:s8+s4], $0x80, $0x38;
	[tilespmem:$0x1F80] =	vst v63  }
0xa9: {  	_ =	swait.ge [sflag:s28], $0x80  }
0xaa: {  	[sflag:s28] =	ssyncset.done $0x0  }
0xab: {  	s29 =	simm.s32 $0x1;
	s9 =	simm.s32 $0x1500;
	[sflag:s28] =	ssyncadd.s32 $0xFFFFFF80  }
0xac: {  	[tilespmem:s9], [sflag:$0x1] =	stream.indirect.gather [hbm4b:s5+s29], $0x80, s7, s29, $0xb8;
	[tilespmem:$0x1F80] =	vst v63  }
0xad: {  	_ =	swait.ge [sflag:s29], $0x80  }
0xae: {  	[sflag:s29] =	ssyncset.done $0x0  }
0xaf: {  	[sflag:s29] =	ssyncadd.s32 $0xFFFFFF80  }
0xb0: {  	s30 =	simm.s32 $0x1600;
	[bflag:$0x0] =	sbarrier.arrive $0xFFFF  }
0xb1: {  	[tilespmem:s30], [sflag:$0x2] =	stream.linear.gather [spmem:s6], $0x800, $0x38;
	[tilespmem:$0x1F80] =	vst v63  }
0xb2: {  	_ =	swait.ge [sflag:s28], $0x800  }
0xb3: {  	[sflag:s28] =	ssyncset.done $0x0  }
0xb4: {  	s31 =	simm.s32 $0x0;
	[sflag:s28] =	ssyncadd.s32 $0xFFFFF800  }
0xb5: {  	v0 =	vld [tilespmem:s31+$0x1B00]  }
0xb6: {  	v1 =	vld [tilespmem:s31+$0x1600]  }
0xb7: {  	v2 =	vld [tilespmem:s31+$0x1B80]  }
0xb8: {  	v3 =	vld [tilespmem:s31+$0x1880]  }
0xb9: {  	v4 =	vld [tilespmem:s31+$0x1C00]  }
0xba: {  	v5 =	vld [tilespmem:s31+$0x1680]  }
0xbb: {  	v6 =	vld [tilespmem:s31+$0x1C80];
	v0 =	vadd.f32 $0.0e+00, v0  }
0xbc: {  	v7 =	vld [tilespmem:s31+$0x1900]  }
0xbd: {  	v8 =	vld [tilespmem:s31+$0x1700];
	v0 =	vadd.f32 v2, v0  }
0xbe: {  	v2 =	vld [tilespmem:s31+$0x1D00]  }
0xbf: {  	v1 =	vadd.f32 $0.0e+00, v1;
	v0 =	vadd.f32 v4, v0;
	v4 =	vld [tilespmem:s31+$0x1980]  }
0xc0: {  	v3 =	vadd.f32 $0.0e+00, v3  }
0xc1: {  	v12 =	vld [tilespmem:s31+$0x1780];
	v1 =	vadd.f32 v5, v1;
	v0 =	vadd.f32 v6, v0  }
0xc2: {  	v11 =	vld [tilespmem:s31+$0x1A00];
	v3 =	vadd.f32 v7, v3;
	v5 =	vimm.f32 $0.0e+00  }
0xc3: {  	v10 =	vld [tilespmem:s31+$0x1800];
	v13 =	vadd.f32 v8, v1;
	v1 =	vimm.f32 $0.0e+00;
	v6 =	vadd.f32 v2, v0  }
0xc4: {  	v9 =	vld [tilespmem:s31+$0x1A80];
	v0 =	vimm.f32 $0.0e+00;
	v2 =	vimm.f32 $0.0e+00;
	v14 =	vadd.f32 v4, v3  }
0xc5: {  	s4 =	simm.s32 $0x10;
	s5 =	simm.s32 $0x80;
	v7 =	vld [tilespmem:s31+$0x1500];
	v3 =	vimm.f32 $0.0e+00;
	v4 =	vimm.f32 $0.0e+00;
	v8 =	vmul.f32 v6, v6  }
.LBB2_16:
0xc6: {  	p0 =	sne.s32 s5, $0x1C0;
	v15 =	vld [tilespmem:s4+$0x1B00];
	v12 =	vadd.f32 v12, v13  }
0xc7: {  	v13 =	vld [tilespmem:s4+$0x1600];
	v11 =	vadd.f32 v11, v14;
	v0 =	vadd.f32 v8, v0  }
0xc8: {  	v8 =	vld [tilespmem:s4+$0x1B80];
	v10 =	vadd.f32 v10, v12  }
0xc9: {  	v12 =	vld [tilespmem:s4+$0x1880];
	v9 =	vadd.f32 v9, v11  }
0xca: {  	v11 =	vld [tilespmem:s4+$0x1C00];
	v14 =	vmul.f32 v10, v7;
	v10 =	vmul.f32 v10, v10  }
0xcb: {  	v16 =	vld [tilespmem:s4+$0x1680];
	v15 =	vadd.f32 $0.0e+00, v15;
	v17 =	vmul.f32 v9, v7;
	v9 =	vmul.f32 v9, v9  }
0xcc: {  	v6 =	vmul.f32 v6, v7;
	v18 =	vld [tilespmem:s4+$0x1C80];
	v13 =	vadd.f32 $0.0e+00, v13;
	v5 =	vadd.f32 v14, v5  }
0xcd: {  	v3 =	vadd.f32 v10, v3;
	v7 =	vld [tilespmem:s4+$0x1900];
	v8 =	vadd.f32 v8, v15  }
0xce: {  	v4 =	vadd.f32 v17, v4;
	v14 =	vld [tilespmem:s4+$0x1D00];
	v10 =	vadd.f32 $0.0e+00, v12  }
0xcf: {  	v2 =	vadd.f32 v9, v2;
	v15 =	vld [tilespmem:s4+$0x1700];
	v8 =	vadd.f32 v11, v8  }
0xd0: {  	v1 =	vadd.f32 v6, v1;
	v17 =	vld [tilespmem:s4+$0x1980];
	v13 =	vadd.f32 v16, v13  }
.Ltmp8:
0xd1: {  	v12 =	vld [tilespmem:s4+$0x1780];
	v6 =	vadd.f32 v18, v8;
	(pc) =	sbr.rel @p0 .LBB2_16-.Ltmp8, $4  }
0xd2: {  	v11 =	vld [tilespmem:s4+$0x1A00];
	v8 =	vadd.f32 v7, v10  }
0xd3: {  	v10 =	vld [tilespmem:s4+$0x1800];
	v6 =	vadd.f32 v14, v6  }
0xd4: {  	v9 =	vld [tilespmem:s4+$0x1A80];
	v13 =	vadd.f32 v15, v13  }
0xd5: {  	v7 =	vld [tilespmem:s4+$0x1500];
	s4 =	sshra.s32 s5, $0x2;
	s5 =	sadd.s32 $0x40, s5;
	v14 =	vadd.f32 v17, v8;
	v8 =	vmul.f32 v6, v6  }
0xd6: {  	v15 =	vld [tilespmem:s4+$0x1B00]  }
0xd7: {  	v16 =	vld [tilespmem:s4+$0x1600]  }
0xd8: {  	v17 =	vld [tilespmem:s4+$0x1B80]  }
0xd9: {  	v18 =	vld [tilespmem:s4+$0x1880]  }
0xda: {  	v19 =	vld [tilespmem:s4+$0x1C00]  }
0xdb: {  	v20 =	vld [tilespmem:s4+$0x1680]  }
0xdc: {  	v21 =	vld [tilespmem:s4+$0x1C80]  }
0xdd: {  	v22 =	vld [tilespmem:s4+$0x1900]  }
0xde: {  	v23 =	vld [tilespmem:s4+$0x1700]  }
0xdf: {  	v24 =	vld [tilespmem:s4+$0x1980];
	v16 =	vadd.f32 $0.0e+00, v16  }
0xe0: {  	v12 =	vadd.f32 v12, v13;
	v35 =	vld [tilespmem:s4+$0x1780];
	v11 =	vadd.f32 v11, v14  }
0xe1: {  	v37 =	vld [tilespmem:s4+$0x1A00];
	v34 =	vadd.f32 $0.0e+00, v18;
	v36 =	vadd.f32 v20, v16  }
0xe2: {  	v38 =	vld [tilespmem:s4+$0x1800];
	v10 =	vadd.f32 v10, v12;
	v15 =	vadd.f32 $0.0e+00, v15  }
0xe3: {  	v40 =	vld [tilespmem:s4+$0x1A80];
	v13 =	vadd.f32 v22, v34;
	v39 =	vadd.f32 v23, v36  }
0xe4: {  	v41 =	vld [tilespmem:s4+$0x1500];
	v9 =	vadd.f32 v9, v11;
	v15 =	vadd.f32 v17, v15  }
0xe5: {  	v13 =	vadd.f32 v24, v13;
	v42 =	vadd.f32 v35, v39  }
0xe6: {  	v45 =	vld [tilespmem:s4+$0x1D00];
	v44 =	vmul.f32 v10, v7;
	v10 =	vmul.f32 v10, v10;
	v43 =	vadd.f32 v19, v15  }
0xe7: {  	v6 =	vmul.f32 v6, v7;
	v13 =	vadd.f32 v37, v13;
	v11 =	vadd.f32 v38, v42  }
0xe8: {  	v46 =	vmul.f32 v9, v7;
	v9 =	vmul.f32 v9, v9;
	v5 =	vadd.f32 v44, v5  }
0xe9: {  	v47 =	vadd.f32 v21, v43;
	v48 =	vadd.f32 v40, v13;
	v49 =	vmul.f32 v11, v41  }
0xea: {  	v3 =	vadd.f32 v10, v3;
	v4 =	vadd.f32 v46, v4;
	v50 =	vmul.f32 v11, v11  }
0xeb: {  	v7 =	vadd.f32 v45, v47;
	v51 =	vmul.f32 v48, v41;
	v5 =	vadd.f32 v49, v5  }
0xec: {  	v2 =	vadd.f32 v9, v2;
	v52 =	vmul.f32 v48, v48;
	v3 =	vadd.f32 v50, v3  }
0xed: {  	v1 =	vadd.f32 v6, v1;
	v53 =	vmul.f32 v7, v41;
	v4 =	vadd.f32 v51, v4;
	(xrf2) =	vadd.scan.msk.f32 $0xffff, v5  }
0xee: {  	v0 =	vadd.f32 v8, v0;
	v54 =	vmul.f32 v7, v7;
	v2 =	vadd.f32 v52, v2;
	(xrf2) =	vadd.scan.msk.f32 $0xffff, v3  }
0xef: {  	v1 =	vadd.f32 v53, v1;
	(xrf2) =	vadd.scan.msk.f32 $0xffff, v4  }
0xf0: {  	v0 =	vadd.f32 v54, v0;
	(xrf2) =	vadd.scan.msk.f32 $0xffff, v2  }
0xf1: {  	(xrf2) =	vadd.scan.msk.f32 $0xffff, v1  }
0xf2: {  	(xrf2) =	vadd.scan.msk.f32 $0xffff, v0;
	_ =	sdelay $0x4  }
0xf3: {  	v55, _, _ =	vpop (xrf2)  }
0xf4: {  	v56, _, _ =	vpop (xrf2)  }
0xf5: {  	v57, _, _ =	vpop (xrf2)  }
0xf6: {  	v1 =	vbroadcast v56, $0xF;
	v58, _, _ =	vpop (xrf2)  }
0xf7: {  	v59, _, _ =	vpop (xrf2);
	v3 =	vbroadcast v58, $0xF  }
0xf8: {  	(erf) = vrcp.f32 v1;
	v60, _, _ =	vpop (xrf2)  }
0xf9: {  	(erf) = vrcp.f32 v3;
	v1 =	vbroadcast v60, $0xF;
	_ =	sdelay $0x1  }
0xfa: {  	(erf) = vrcp.f32 v1;
	_ =	sdelay $0x5  }
0xfb: {  	v2 =	vbroadcast v57, $0xF;
	v61 =	vpop (erf)  }
0xfc: {  	v0 =	vbroadcast v55, $0xF;
	v3 =	vpop (erf)  }
0xfd: {  	v62 =	vbroadcast v59, $0xF;
	v2 =	vmul.f32 v3, v2  }
0xfe: {  	v0 =	vmul.f32 v61, v0;
	v63 =	vpop (erf)  }
0xff: {  	v1 =	vmul.f32 v63, v62;
	v2 =	vmul.f32 $1.000000010e-01, v2;
	_ =	sdelay $0x1  }
0x100: {  	v0 =	vadd.f32 v2, v0;
	v1 =	vmul.f32 $1.000000010e-01, v1;
	_ =	sdelay $0x1  }
0x101: {  	v0 =	vadd.f32 v1, v0;
	_ =	sdelay $0x1  }
0x102: {  	v1 =	vsub.f32 $1.200000050e+00, v0  }
0x103: {  	[tilespmem:$0x1E00] =	vst v0  }
0x104: {  	s29 =	simm.s32 $0x0;
	s5 =	simm.s32 $0x1E00;
	[tilespmem:$0x1E80] =	vst v1  }
0x105: {  	[hbm4b:s3+s29] =	stream.linear.scatter [tilespmem:s5], [sflag:$0x1], $0x1, $0x38;
	[tilespmem:$0x1F80] =	vst v63  }
0x106: {  	s30 =	simm.s32 $0x1E80;
	s31 =	simm.s32 $0x1  }
0x107: {  	[hbm4b:s2+s29] =	stream.linear.scatter [tilespmem:s30], [sflag:$0x1], $0x1, $0x38;
	[tilespmem:$0x1F80] =	vst v63  }
0x108: {  	_ =	swait.ge [sflag:s31], $0x1  }
.Ltmp9:
0x109: {  	[sflag:s31] =	ssyncset.done $0x0;
	(pc) =	sbr.rel .LBB2_18-.Ltmp9, $4  }
0x10a: {  	[sflag:s31] =	ssyncadd.s32 $0xFFFFFFFF  }
0x10b: {  	_ =	swait.ge [sflag:s31], $0x1  }
0x10c: {  	[sflag:s31] =	ssyncset.done $0x0  }
0x10d: {  	[sflag:s31] =	ssyncadd.s32 $0xFFFFFFFF  }
.Lfunc_end2:
_tile_overlayer_lowered:
.L_overlay_start_2:
0x10e: {  	(tag) =	ssettag $0x2  }
0x10f: {  	s0 =	rddreg [dreg:$0x0];
	s2 =	stileid.u32  }
0x110: {  	s1 =	rddreg [dreg:$0x1];
	p0 =	sne.s32 s2, $0x0  }
0x111: {  	s3 =	rddreg [dreg:$0x2];
	[bflag:$0x3] =	sbarrier.arrive $0xFFFF;
	s2 =	simm.s32 @!p0 $0x1C02  }
0x112: {  	[timem:s3], [sflag:s2] =	dma.local @!p0 [hbm:s0], s1  }
0x113: {  	s0 =	simm.s32 @!p0 $0x2  }
0x114: {  	_ =	swait.ge @!p0 [sflag:s0], s1  }
0x115: {  	s1 =	ssub.s32 @!p0 $0x0, s1;
	[sflag:s0] =	ssyncset.done @!p0 $0x0  }
0x116: {  	[sflag:s0] =	ssyncadd.s32 @!p0 s1  }
0x117: {  	[bflag:$0x3] =	sbarrier.arrive $0xFFFF  }
0x118: {  	_ =	shalt  }

</sc_bundles>
